<compile_context>
chip_gen: v7x
topology: tpu7x:2x2x1
jax: 0.10.2.dev20260603
libtpu: 0.0.44.dev20260713+nightly
codegen_flags: <defaults>
</compile_context>

<pallas_src>
import functools

import jax
import jax.numpy as jnp
from jax import lax
from jax.experimental import pallas as pl
from jax.experimental.pallas import tpu as pltpu
from jax.experimental.pallas import tpu_sc as plsc

_B, _T = 1024, 50
_BT = _B * _T
_NGRAMS = 16
_VAL_DIM = 64
_KEY_DIM = 32
_TOKEN_DIM = 128
_KPAD = 1024
_LPAD = 128

_NC, _NS = 2, 16
_NW = _NC * _NS
_TOK_W = _BT // _NW
_CHUNK = 16
_STEPS = _TOK_W // _CHUNK
_IPC = _CHUNK * _NGRAMS
_IDXV = 128
_NDMA = _IPC // _IDXV
_VROW = 2 * _VAL_DIM


@functools.partial(
    pl.kernel,
    mesh=plsc.VectorSubcoreMesh(core_axis_name="c", subcore_axis_name="s"),
    out_type=jax.ShapeDtypeStruct((_BT, _VAL_DIM), jnp.float32),
    scratch_types=[
        pltpu.VMEM((_STEPS, _NDMA, _IDXV), jnp.int32),
        pltpu.VMEM((2, _IPC, _VROW), jnp.float32),
        pltpu.VMEM((_CHUNK, _VAL_DIM), jnp.float32),
        pltpu.SemaphoreType.DMA,
        pltpu.SemaphoreType.DMA,
    ],
)
def _sc_bag(ngram_hbm, vtab_hbm, out_hbm, idx_v, rows_v, acc_v, sem0, sem1):
    wid = lax.axis_index("s") * _NC + lax.axis_index("c")
    sems = (sem0, sem1)
    g0 = wid * _STEPS
    pltpu.sync_copy(ngram_hbm.at[pl.ds(g0, _STEPS)], idx_v)

    def fire(s, b, sem):
        for j in range(_NDMA):
            pltpu.async_copy(
                vtab_hbm.at[idx_v.at[s, j]],
                rows_v.at[b, pl.ds(j * _IDXV, _IDXV)],
                sem,
            )

    def drain(s, b, sem):
        for j in range(_NDMA):
            pltpu.make_async_copy(
                vtab_hbm.at[idx_v.at[s, j]],
                rows_v.at[b, pl.ds(j * _IDXV, _IDXV)],
                sem,
            ).wait()

    def reduce_store(g, b):
        rv = rows_v.at[b]

        def tok(t, carry):
            base = t * _NGRAMS
            for c in range(_VAL_DIM // 16):
                sl = pl.ds(c * 16, 16)
                a = rv[base, sl]
                for r in range(1, _NGRAMS):
                    a = a + rv[base + r, sl]
                acc_v[t, sl] = a
            return carry

        lax.fori_loop(0, _CHUNK, tok, 0)
        pltpu.sync_copy(acc_v, out_hbm.at[pl.ds(g * _CHUNK, _CHUNK)])

    fire(0, 0, sem0)
    fire(1, 1, sem1)

    def super_step(s2, carry):
        for b in range(2):
            s = 2 * s2 + b
            drain(s, b, sems[b])
            reduce_store(g0 + s, b)

            @pl.when(s2 < _STEPS // 2 - 1)
            def _():
                fire(s + 2, b, sems[b])

        return carry

    lax.fori_loop(0, _STEPS // 2, super_step, 0)


_BLK = 512
_GRID = _BT // _BLK


def _tc_pre_body(kidx_ref, lidx_ref, ktab_ref, ltab_ref, wk_ref, b_ref,
                 out_ref):
    kidx = kidx_ref[...]
    lidx = lidx_ref[...]
    onek = (lax.broadcasted_iota(jnp.int32, (_BLK, _KPAD), 1)
            == kidx).astype(jnp.float32)
    onel = (lax.broadcasted_iota(jnp.int32, (_BLK, _LPAD), 1)
            == lidx).astype(jnp.float32)
    kemb = jnp.dot(onek, ktab_ref[...],
                   preferred_element_type=jnp.float32)
    lemb = jnp.dot(onel, ltab_ref[...],
                   preferred_element_type=jnp.float32)
    out_ref[...] = (jnp.dot(kemb, wk_ref[...],
                            preferred_element_type=jnp.float32)
                    + b_ref[...] + lemb)


def _tc_pre(kidx, lidx, ktab, ltab, wk, b):
    return pl.pallas_call(
        _tc_pre_body,
        grid=(_GRID,),
        in_specs=[
            pl.BlockSpec((_BLK, 1), lambda i: (i, 0)),
            pl.BlockSpec((_BLK, 1), lambda i: (i, 0)),
            pl.BlockSpec((_KPAD, _KEY_DIM), lambda i: (0, 0)),
            pl.BlockSpec((_LPAD, _TOKEN_DIM), lambda i: (0, 0)),
            pl.BlockSpec((_KEY_DIM, _TOKEN_DIM), lambda i: (0, 0)),
            pl.BlockSpec((1, _TOKEN_DIM), lambda i: (0, 0)),
        ],
        out_specs=pl.BlockSpec((_BLK, _TOKEN_DIM), lambda i: (i, 0)),
        out_shape=jax.ShapeDtypeStruct((_BT, _TOKEN_DIM), jnp.float32),
    )(kidx, lidx, ktab, ltab, wk, b)


def _tc_post_body(part_ref, val_ref, wv_ref, out_ref):
    out_ref[...] = part_ref[...] + jnp.dot(
        val_ref[...], wv_ref[...], preferred_element_type=jnp.float32)


def _tc_post(part, val_emb, wv):
    return pl.pallas_call(
        _tc_post_body,
        grid=(_GRID,),
        in_specs=[
            pl.BlockSpec((_BLK, _TOKEN_DIM), lambda i: (i, 0)),
            pl.BlockSpec((_BLK, _VAL_DIM), lambda i: (i, 0)),
            pl.BlockSpec((_VAL_DIM, _TOKEN_DIM), lambda i: (0, 0)),
        ],
        out_specs=pl.BlockSpec((_BLK, _TOKEN_DIM), lambda i: (i, 0)),
        out_shape=jax.ShapeDtypeStruct((_BT, _TOKEN_DIM), jnp.float32),
    )(part, val_emb, wv)


def kernel(key_idx, landmark_idx, ngram_indices, key_table, value_table,
           landmark_table, W_proj, b_proj):
    ngram3 = ngram_indices.reshape(_NW * _STEPS, _NDMA, _IDXV)
    vpad = jnp.pad(value_table, ((0, 0), (0, _VAL_DIM)))
    val_emb = _sc_bag(ngram3, vpad)

    kidx = key_idx.reshape(_BT, 1)
    lidx = landmark_idx.reshape(_BT, 1)
    ktab = jnp.zeros((_KPAD, _KEY_DIM), jnp.float32).at[
        :key_table.shape[0]].set(key_table)
    ltab = jnp.zeros((_LPAD, _TOKEN_DIM), jnp.float32).at[
        :landmark_table.shape[0]].set(landmark_table)
    part = _tc_pre(kidx, lidx, ktab, ltab, W_proj[:_KEY_DIM],
                   b_proj.reshape(1, _TOKEN_DIM))
    out = _tc_post(part, val_emb, W_proj[_KEY_DIM:] * (1.0 / _NGRAMS))
    return out.reshape(_B, _T, _TOKEN_DIM)

# --- scband reference (transcript-rebuilt; emitter-appended) ---
"""Pipeline reference for scband-osmtag-token-extractor-22926535426699 (READ-ONLY COPY).

The authoritative reference and input builder live on the scoring server;
editing this copy changes nothing except your own understanding.
"""

import jax, jax.numpy as jnp
import numpy as np

B = 1024
T = 50
NGRAMS = 16
KEY_VOCAB = 1000
KEY_DIM = 32
NGRAM_BUCKETS = 1000000
VAL_DIM = 64
TOKEN_DIM = 128
MAX_LANDMARKS = 100


def setup_inputs(seed: int = 0) -> dict:
    key = jax.random.key(seed)
    k1, k2, k3, k4, k5, k6, k7, k8 = jax.random.split(key, 8)
    key_idx = jax.random.randint(k1, (B, T), 0, KEY_VOCAB, dtype=jnp.int64 if jax.config.jax_enable_x64 else jnp.int32).astype(jnp.int32)
    landmark_idx = jax.random.randint(k2, (B, T), 0, MAX_LANDMARKS).astype(jnp.int32)
    ngram_indices = jax.random.randint(k3, (B * T, NGRAMS), 0, NGRAM_BUCKETS).astype(jnp.int32)
    key_table = jax.random.normal(k4, (KEY_VOCAB, KEY_DIM), dtype=jnp.float32) * 0.02
    # padding_idx=0 in nn.Embedding -> row 0 zeroed
    key_table = key_table.at[0].set(0.0)
    value_table = jax.random.normal(k5, (NGRAM_BUCKETS, VAL_DIM), dtype=jnp.float32) * 0.02
    landmark_table = jax.random.normal(k6, (MAX_LANDMARKS, TOKEN_DIM), dtype=jnp.float32) * 0.02
    in_dim = KEY_DIM + VAL_DIM
    W_proj = jax.random.normal(k7, (in_dim, TOKEN_DIM), dtype=jnp.float32) * (1.0 / np.sqrt(in_dim))
    b_proj = jax.random.normal(k8, (TOKEN_DIM,), dtype=jnp.float32) * 0.01
    return {
        "key_idx": key_idx,
        "landmark_idx": landmark_idx,
        "ngram_indices": ngram_indices,
        "key_table": key_table,
        "value_table": value_table,
        "landmark_table": landmark_table,
        "W_proj": W_proj,
        "b_proj": b_proj,
    }


def reference(key_idx, landmark_idx, ngram_indices, key_table, value_table, landmark_table, W_proj, b_proj):
    # CharNgramHasher: EmbeddingBag(mode='mean') over char-ngram hash indices
    val_gathered = jnp.take(value_table, ngram_indices, axis=0)  # [B*T, NGRAMS, VAL_DIM]
    val_emb = jnp.mean(val_gathered, axis=1).reshape(B, T, VAL_DIM)
    # key embedding lookup (padding_idx=0 row is zero)
    key_emb = jnp.take(key_table, key_idx, axis=0)  # [B, T, KEY_DIM]
    # landmark index embedding
    lm_emb = jnp.take(landmark_table, landmark_idx, axis=0)  # [B, T, TOKEN_DIM]
    # tag projection: Linear(cat([key_emb, val_emb])) + landmark_idx_emb
    proj_in = jnp.concatenate([key_emb, val_emb], axis=-1)  # [B, T, KEY_DIM+VAL_DIM]
    token_vec = jnp.einsum('btd,dk->btk', proj_in, W_proj) + b_proj
    features = token_vec + lm_emb  # [B, T, TOKEN_DIM]
    return features

if __name__ == "__main__":
    import jax
    _d = setup_inputs()
    print(jax.jit(kernel)(*tuple(_d.values())))

</pallas_src>

<mosaic_0001>
#map = affine_map<(d0, d1) -> (0, 0, 0)>
#map1 = affine_map<(d0, d1) -> (0, 0)>
module attributes {stable_mosaic.version = 14 : i64} {
  func.func @_sc_bag(%arg0: i32, %arg1: i32, %arg2: memref<3200x2x128xi32, #tpu.memory_space<hbm>>, %arg3: memref<1000000x128xf32, #tpu.memory_space<hbm>>, %arg4: memref<51200x64xf32, #tpu.memory_space<hbm>>, %arg5: memref<100x2x128xi32, #tpu.memory_space<vmem>>, %arg6: memref<2x256x128xf32, #tpu.memory_space<vmem>>, %arg7: memref<16x64xf32, #tpu.memory_space<vmem>>, %arg8: memref<!tpu.dma_semaphore, #tpu.memory_space<semaphore_mem>>, %arg9: memref<!tpu.dma_semaphore, #tpu.memory_space<semaphore_mem>>) attributes {dimension_semantics = [#tpu.dimension_semantics<core_parallel>, #tpu.dimension_semantics<subcore_parallel>], iteration_bounds = array<i64: 2, 16>, scalar_prefetch = 0 : i64, scratch_operands = 5 : i64, tpu.core_type = #tpu.core_type<sc_vector_subcore>, window_params = [{transform_indices = #map}, {transform_indices = #map1}, {transform_indices = #map1}]} {
    %mul3A = arith.constant 2 : i32
    %mul3A_0 = arith.muli %arg1, %mul3A : i32
    %add3A = arith.addi %mul3A_0, %arg0 : i32
    %mul3A_1 = arith.constant 100 : i32
    %mul3A_2 = arith.muli %add3A, %mul3A_1 : i32
    "tpu.region"() ({
      %run_scoped3A = tpu.sem_alloc : memref<!tpu.dma_semaphore, #tpu.memory_space<semaphore_mem>>
      %dma_start3A_59 = arith.constant 0 : i32
      %dma_start3A_60 = arith.constant 0 : i32
      %dma_start3A_61 = tpu.memref_slice %arg2[%mul3A_2, %dma_start3A_59, %dma_start3A_60] : memref<3200x2x128xi32, #tpu.memory_space<hbm>> -> memref<100x2x128xi32, #tpu.memory_space<hbm>>
      %dma_start3A_62 = arith.constant 0 : i32
      %dma_start3A_63 = arith.constant 0 : i32
      %dma_start3A_64 = tpu.memref_slice %arg2[%mul3A_2, %dma_start3A_62, %dma_start3A_63] : memref<3200x2x128xi32, #tpu.memory_space<hbm>> -> memref<100x2x128xi32, #tpu.memory_space<hbm>>
      tpu.enqueue_dma source(%dma_start3A_64 : memref<100x2x128xi32, #tpu.memory_space<hbm>>) target(%arg5 : memref<100x2x128xi32, #tpu.memory_space<vmem>>) target_semaphore(%run_scoped3A : memref<!tpu.dma_semaphore, #tpu.memory_space<semaphore_mem>>)
      %dma_wait3A = arith.constant 0 : i32
      %dma_wait3A_65 = arith.constant 0 : i32
      %dma_wait3A_66 = tpu.memref_slice %arg2[%mul3A_2, %dma_wait3A, %dma_wait3A_65] : memref<3200x2x128xi32, #tpu.memory_space<hbm>> -> memref<100x2x128xi32, #tpu.memory_space<hbm>>
      %dma_wait3A_67 = arith.constant 0 : i32
      %dma_wait3A_68 = arith.constant 0 : i32
      %dma_wait3A_69 = tpu.memref_slice %arg2[%mul3A_2, %dma_wait3A_67, %dma_wait3A_68] : memref<3200x2x128xi32, #tpu.memory_space<hbm>> -> memref<100x2x128xi32, #tpu.memory_space<hbm>>
      tpu.wait_dma2 semaphore(%run_scoped3A : memref<!tpu.dma_semaphore, #tpu.memory_space<semaphore_mem>>) src(%dma_wait3A_69 : memref<100x2x128xi32, #tpu.memory_space<hbm>>) dst(%arg5 : memref<100x2x128xi32, #tpu.memory_space<vmem>>)
      tpu.yield
    }) : () -> ()
    %dma_start3A = arith.constant 0 : i32
    %dma_start3A_3 = arith.constant 0 : i32
    %dma_start3A_4 = arith.constant 0 : i32
    %dma_start3A_5 = arith.constant 0 : i32
    %dma_start3A_6 = arith.constant 0 : i32
    %dma_start3A_7 = tpu.memref_slice %arg6[%dma_start3A_4, %dma_start3A_5, %dma_start3A_6] : memref<2x256x128xf32, #tpu.memory_space<vmem>> -> memref<1x128x128xf32, #tpu.memory_space<vmem>>
    %dma_start3A_8 = tpu.memref_squeeze %dma_start3A_7 : memref<1x128x128xf32, #tpu.memory_space<vmem>> -> memref<128x128xf32, #tpu.memory_space<vmem>>
    %dma_start3A_9 = arith.constant 0 : i32
    %dma_start3A_10 = tpu.memref_slice %arg5[%dma_start3A, %dma_start3A_3, %dma_start3A_9] : memref<100x2x128xi32, #tpu.memory_space<vmem>> -> memref<1x1x128xi32, #tpu.memory_space<vmem>>
    %dma_start3A_11 = tpu.memref_squeeze %dma_start3A_10 : memref<1x1x128xi32, #tpu.memory_space<vmem>> -> memref<128xi32, #tpu.memory_space<vmem>>
    %dma_start3A_12 = arith.constant 0 : i32
    %dma_start3A_13 = arith.constant 0 : i32
    %dma_start3A_14 = tpu.memref_slice %arg3[%dma_start3A_12, %dma_start3A_13] : memref<1000000x128xf32, #tpu.memory_space<hbm>> -> memref<1000000x128xf32, #tpu.memory_space<hbm>>
    tpu.enqueue_indirect_dma source(%dma_start3A_14 : memref<1000000x128xf32, #tpu.memory_space<hbm>>) target(%dma_start3A_8 : memref<128x128xf32, #tpu.memory_space<vmem>>) offsets(%dma_start3A_11 : memref<128xi32, #tpu.memory_space<vmem>>) semaphore(%arg8 : memref<!tpu.dma_semaphore, #tpu.memory_space<semaphore_mem>>)
    %dma_start3A_15 = arith.constant 0 : i32
    %dma_start3A_16 = arith.constant 1 : i32
    %dma_start3A_17 = arith.constant 0 : i32
    %dma_start3A_18 = arith.constant 128 : i32
    %dma_start3A_19 = arith.constant 0 : i32
    %dma_start3A_20 = tpu.memref_slice %arg6[%dma_start3A_17, %dma_start3A_18, %dma_start3A_19] : memref<2x256x128xf32, #tpu.memory_space<vmem>> -> memref<1x128x128xf32, #tpu.memory_space<vmem>>
    %dma_start3A_21 = tpu.memref_squeeze %dma_start3A_20 : memref<1x128x128xf32, #tpu.memory_space<vmem>> -> memref<128x128xf32, #tpu.memory_space<vmem>>
    %dma_start3A_22 = arith.constant 0 : i32
    %dma_start3A_23 = tpu.memref_slice %arg5[%dma_start3A_15, %dma_start3A_16, %dma_start3A_22] : memref<100x2x128xi32, #tpu.memory_space<vmem>> -> memref<1x1x128xi32, #tpu.memory_space<vmem>>
    %dma_start3A_24 = tpu.memref_squeeze %dma_start3A_23 : memref<1x1x128xi32, #tpu.memory_space<vmem>> -> memref<128xi32, #tpu.memory_space<vmem>>
    %dma_start3A_25 = arith.constant 0 : i32
    %dma_start3A_26 = arith.constant 0 : i32
    %dma_start3A_27 = tpu.memref_slice %arg3[%dma_start3A_25, %dma_start3A_26] : memref<1000000x128xf32, #tpu.memory_space<hbm>> -> memref<1000000x128xf32, #tpu.memory_space<hbm>>
    tpu.enqueue_indirect_dma source(%dma_start3A_27 : memref<1000000x128xf32, #tpu.memory_space<hbm>>) target(%dma_start3A_21 : memref<128x128xf32, #tpu.memory_space<vmem>>) offsets(%dma_start3A_24 : memref<128xi32, #tpu.memory_space<vmem>>) semaphore(%arg8 : memref<!tpu.dma_semaphore, #tpu.memory_space<semaphore_mem>>)
    %dma_start3A_28 = arith.constant 1 : i32
    %dma_start3A_29 = arith.constant 0 : i32
    %dma_start3A_30 = arith.constant 1 : i32
    %dma_start3A_31 = arith.constant 0 : i32
    %dma_start3A_32 = arith.constant 0 : i32
    %dma_start3A_33 = tpu.memref_slice %arg6[%dma_start3A_30, %dma_start3A_31, %dma_start3A_32] : memref<2x256x128xf32, #tpu.memory_space<vmem>> -> memref<1x128x128xf32, #tpu.memory_space<vmem>>
    %dma_start3A_34 = tpu.memref_squeeze %dma_start3A_33 : memref<1x128x128xf32, #tpu.memory_space<vmem>> -> memref<128x128xf32, #tpu.memory_space<vmem>>
    %dma_start3A_35 = arith.constant 0 : i32
    %dma_start3A_36 = tpu.memref_slice %arg5[%dma_start3A_28, %dma_start3A_29, %dma_start3A_35] : memref<100x2x128xi32, #tpu.memory_space<vmem>> -> memref<1x1x128xi32, #tpu.memory_space<vmem>>
    %dma_start3A_37 = tpu.memref_squeeze %dma_start3A_36 : memref<1x1x128xi32, #tpu.memory_space<vmem>> -> memref<128xi32, #tpu.memory_space<vmem>>
    %dma_start3A_38 = arith.constant 0 : i32
    %dma_start3A_39 = arith.constant 0 : i32
    %dma_start3A_40 = tpu.memref_slice %arg3[%dma_start3A_38, %dma_start3A_39] : memref<1000000x128xf32, #tpu.memory_space<hbm>> -> memref<1000000x128xf32, #tpu.memory_space<hbm>>
    tpu.enqueue_indirect_dma source(%dma_start3A_40 : memref<1000000x128xf32, #tpu.memory_space<hbm>>) target(%dma_start3A_34 : memref<128x128xf32, #tpu.memory_space<vmem>>) offsets(%dma_start3A_37 : memref<128xi32, #tpu.memory_space<vmem>>) semaphore(%arg9 : memref<!tpu.dma_semaphore, #tpu.memory_space<semaphore_mem>>)
    %dma_start3A_41 = arith.constant 1 : i32
    %dma_start3A_42 = arith.constant 1 : i32
    %dma_start3A_43 = arith.constant 1 : i32
    %dma_start3A_44 = arith.constant 128 : i32
    %dma_start3A_45 = arith.constant 0 : i32
    %dma_start3A_46 = tpu.memref_slice %arg6[%dma_start3A_43, %dma_start3A_44, %dma_start3A_45] : memref<2x256x128xf32, #tpu.memory_space<vmem>> -> memref<1x128x128xf32, #tpu.memory_space<vmem>>
    %dma_start3A_47 = tpu.memref_squeeze %dma_start3A_46 : memref<1x128x128xf32, #tpu.memory_space<vmem>> -> memref<128x128xf32, #tpu.memory_space<vmem>>
    %dma_start3A_48 = arith.constant 0 : i32
    %dma_start3A_49 = tpu.memref_slice %arg5[%dma_start3A_41, %dma_start3A_42, %dma_start3A_48] : memref<100x2x128xi32, #tpu.memory_space<vmem>> -> memref<1x1x128xi32, #tpu.memory_space<vmem>>
    %dma_start3A_50 = tpu.memref_squeeze %dma_start3A_49 : memref<1x1x128xi32, #tpu.memory_space<vmem>> -> memref<128xi32, #tpu.memory_space<vmem>>
    %dma_start3A_51 = arith.constant 0 : i32
    %dma_start3A_52 = arith.constant 0 : i32
    %dma_start3A_53 = tpu.memref_slice %arg3[%dma_start3A_51, %dma_start3A_52] : memref<1000000x128xf32, #tpu.memory_space<hbm>> -> memref<1000000x128xf32, #tpu.memory_space<hbm>>
    tpu.enqueue_indirect_dma source(%dma_start3A_53 : memref<1000000x128xf32, #tpu.memory_space<hbm>>) target(%dma_start3A_47 : memref<128x128xf32, #tpu.memory_space<vmem>>) offsets(%dma_start3A_50 : memref<128xi32, #tpu.memory_space<vmem>>) semaphore(%arg9 : memref<!tpu.dma_semaphore, #tpu.memory_space<semaphore_mem>>)
    %scan3A = arith.constant 0 : i32
    %scan3A_54 = arith.constant 0 : i32
    %scan3A_55 = arith.constant 50 : i32
    %scan3A_56 = arith.addi %scan3A_54, %scan3A_55 : i32
    %scan3A_57 = arith.constant 1 : i32
    scf.for %scan3A_59 = %scan3A_54 to %scan3A_56 step %scan3A_57  : i32 {
      %mul3A_60 = arith.constant 2 : i32
      %mul3A_61 = arith.muli %mul3A_60, %scan3A_59 : i32
      %add3A_62 = arith.constant 0 : i32
      %add3A_63 = arith.addi %mul3A_61, %add3A_62 : i32
      %dma_wait3A = arith.constant 0 : i32
      %dma_wait3A_64 = arith.constant 0 : i32
      %dma_wait3A_65 = arith.constant 0 : i32
      %dma_wait3A_66 = arith.constant 0 : i32
      %dma_wait3A_67 = tpu.memref_slice %arg6[%dma_wait3A_64, %dma_wait3A_65, %dma_wait3A_66] : memref<2x256x128xf32, #tpu.memory_space<vmem>> -> memref<1x128x128xf32, #tpu.memory_space<vmem>>
      %dma_wait3A_68 = tpu.memref_squeeze %dma_wait3A_67 : memref<1x128x128xf32, #tpu.memory_space<vmem>> -> memref<128x128xf32, #tpu.memory_space<vmem>>
      %dma_wait3A_69 = arith.constant 0 : i32
      %dma_wait3A_70 = tpu.memref_slice %arg5[%add3A_63, %dma_wait3A, %dma_wait3A_69] : memref<100x2x128xi32, #tpu.memory_space<vmem>> -> memref<1x1x128xi32, #tpu.memory_space<vmem>>
      %dma_wait3A_71 = tpu.memref_squeeze %dma_wait3A_70 : memref<1x1x128xi32, #tpu.memory_space<vmem>> -> memref<128xi32, #tpu.memory_space<vmem>>
      %dma_wait3A_72 = arith.constant 0 : i32
      %dma_wait3A_73 = arith.constant 0 : i32
      %dma_wait3A_74 = tpu.memref_slice %arg3[%dma_wait3A_72, %dma_wait3A_73] : memref<1000000x128xf32, #tpu.memory_space<hbm>> -> memref<1000000x128xf32, #tpu.memory_space<hbm>>
      tpu.wait_indirect_dma semaphore(%arg8 : memref<!tpu.dma_semaphore, #tpu.memory_space<semaphore_mem>>) src(%dma_wait3A_74 : memref<1000000x128xf32, #tpu.memory_space<hbm>>) dst(%dma_wait3A_68 : memref<128x128xf32, #tpu.memory_space<vmem>>)
      %dma_wait3A_75 = arith.constant 1 : i32
      %dma_wait3A_76 = arith.constant 0 : i32
      %dma_wait3A_77 = arith.constant 128 : i32
      %dma_wait3A_78 = arith.constant 0 : i32
      %dma_wait3A_79 = tpu.memref_slice %arg6[%dma_wait3A_76, %dma_wait3A_77, %dma_wait3A_78] : memref<2x256x128xf32, #tpu.memory_space<vmem>> -> memref<1x128x128xf32, #tpu.memory_space<vmem>>
      %dma_wait3A_80 = tpu.memref_squeeze %dma_wait3A_79 : memref<1x128x128xf32, #tpu.memory_space<vmem>> -> memref<128x128xf32, #tpu.memory_space<vmem>>
      %dma_wait3A_81 = arith.constant 0 : i32
      %dma_wait3A_82 = tpu.memref_slice %arg5[%add3A_63, %dma_wait3A_75, %dma_wait3A_81] : memref<100x2x128xi32, #tpu.memory_space<vmem>> -> memref<1x1x128xi32, #tpu.memory_space<vmem>>
      %dma_wait3A_83 = tpu.memref_squeeze %dma_wait3A_82 : memref<1x1x128xi32, #tpu.memory_space<vmem>> -> memref<128xi32, #tpu.memory_space<vmem>>
      %dma_wait3A_84 = arith.constant 0 : i32
      %dma_wait3A_85 = arith.constant 0 : i32
      %dma_wait3A_86 = tpu.memref_slice %arg3[%dma_wait3A_84, %dma_wait3A_85] : memref<1000000x128xf32, #tpu.memory_space<hbm>> -> memref<1000000x128xf32, #tpu.memory_space<hbm>>
      tpu.wait_indirect_dma semaphore(%arg8 : memref<!tpu.dma_semaphore, #tpu.memory_space<semaphore_mem>>) src(%dma_wait3A_86 : memref<1000000x128xf32, #tpu.memory_space<hbm>>) dst(%dma_wait3A_80 : memref<128x128xf32, #tpu.memory_space<vmem>>)
      %add3A_87 = arith.addi %mul3A_2, %add3A_63 : i32
      %scan3A_88 = arith.constant 0 : i32
      %scan3A_89 = arith.constant 0 : i32
      %scan3A_90 = arith.constant 0 : i32
      %scan3A_91 = arith.constant 16 : i32
      %scan3A_92 = arith.addi %scan3A_90, %scan3A_91 : i32
      %scan3A_93 = arith.constant 1 : i32
      scf.for %scan3A_142 = %scan3A_90 to %scan3A_92 step %scan3A_93  : i32 {
        %mul3A_143 = arith.constant 16 : i32
        %mul3A_144 = arith.muli %scan3A_142, %mul3A_143 : i32
        %get3A = arith.constant 0 : i32
        %get3A_145 = arith.constant 0 : i32
        %get3A_146 = tpu.memref_slice %arg6[%scan3A_89, %get3A, %get3A_145] : memref<2x256x128xf32, #tpu.memory_space<vmem>> -> memref<1x256x128xf32, #tpu.memory_space<vmem>>
        %get3A_147 = tpu.memref_squeeze %get3A_146 : memref<1x256x128xf32, #tpu.memory_space<vmem>> -> memref<256x128xf32, #tpu.memory_space<vmem>>
        %get3A_148 = arith.index_cast %mul3A_144 : i32 to index
        %get3A_149 = arith.constant 0 : index
        %get3A_150 = tpu.vector_load %get3A_147[%get3A_148, %get3A_149] {strides = array<i32>} : memref<256x128xf32, #tpu.memory_space<vmem>>, vector<1x16xf32>,
        %get3A_151 = vector.shape_cast %get3A_150 : vector<1x16xf32> to vector<16xf32>
        %add3A_152 = arith.constant 1 : i32
        %add3A_153 = arith.addi %mul3A_144, %add3A_152 : i32
        %get3A_154 = arith.constant 0 : i32
        %get3A_155 = arith.constant 0 : i32
        %get3A_156 = tpu.memref_slice %arg6[%scan3A_89, %get3A_154, %get3A_155] : memref<2x256x128xf32, #tpu.memory_space<vmem>> -> memref<1x256x128xf32, #tpu.memory_space<vmem>>
        %get3A_157 = tpu.memref_squeeze %get3A_156 : memref<1x256x128xf32, #tpu.memory_space<vmem>> -> memref<256x128xf32, #tpu.memory_space<vmem>>
        %get3A_158 = arith.index_cast %add3A_153 : i32 to index
        %get3A_159 = arith.constant 0 : index
        %get3A_160 = tpu.vector_load %get3A_157[%get3A_158, %get3A_159] {strides = array<i32>} : memref<256x128xf32, #tpu.memory_space<vmem>>, vector<1x16xf32>,
        %get3A_161 = vector.shape_cast %get3A_160 : vector<1x16xf32> to vector<16xf32>
        %add3A_162 = arith.addf %get3A_151, %get3A_161 : vector<16xf32>
        %add3A_163 = arith.constant 2 : i32
        %add3A_164 = arith.addi %mul3A_144, %add3A_163 : i32
        %get3A_165 = arith.constant 0 : i32
        %get3A_166 = arith.constant 0 : i32
        %get3A_167 = tpu.memref_slice %arg6[%scan3A_89, %get3A_165, %get3A_166] : memref<2x256x128xf32, #tpu.memory_space<vmem>> -> memref<1x256x128xf32, #tpu.memory_space<vmem>>
        %get3A_168 = tpu.memref_squeeze %get3A_167 : memref<1x256x128xf32, #tpu.memory_space<vmem>> -> memref<256x128xf32, #tpu.memory_space<vmem>>
        %get3A_169 = arith.index_cast %add3A_164 : i32 to index
        %get3A_170 = arith.constant 0 : index
        %get3A_171 = tpu.vector_load %get3A_168[%get3A_169, %get3A_170] {strides = array<i32>} : memref<256x128xf32, #tpu.memory_space<vmem>>, vector<1x16xf32>,
        %get3A_172 = vector.shape_cast %get3A_171 : vector<1x16xf32> to vector<16xf32>
        %add3A_173 = arith.addf %add3A_162, %get3A_172 : vector<16xf32>
        %add3A_174 = arith.constant 3 : i32
        %add3A_175 = arith.addi %mul3A_144, %add3A_174 : i32
        %get3A_176 = arith.constant 0 : i32
        %get3A_177 = arith.constant 0 : i32
        %get3A_178 = tpu.memref_slice %arg6[%scan3A_89, %get3A_176, %get3A_177] : memref<2x256x128xf32, #tpu.memory_space<vmem>> -> memref<1x256x128xf32, #tpu.memory_space<vmem>>
        %get3A_179 = tpu.memref_squeeze %get3A_178 : memref<1x256x128xf32, #tpu.memory_space<vmem>> -> memref<256x128xf32, #tpu.memory_space<vmem>>
        %get3A_180 = arith.index_cast %add3A_175 : i32 to index
        %get3A_181 = arith.constant 0 : index
        %get3A_182 = tpu.vector_load %get3A_179[%get3A_180, %get3A_181] {strides = array<i32>} : memref<256x128xf32, #tpu.memory_space<vmem>>, vector<1x16xf32>,
        %get3A_183 = vector.shape_cast %get3A_182 : vector<1x16xf32> to vector<16xf32>
        %add3A_184 = arith.addf %add3A_173, %get3A_183 : vector<16xf32>
        %add3A_185 = arith.constant 4 : i32
        %add3A_186 = arith.addi %mul3A_144, %add3A_185 : i32
        %get3A_187 = arith.constant 0 : i32
        %get3A_188 = arith.constant 0 : i32
        %get3A_189 = tpu.memref_slice %arg6[%scan3A_89, %get3A_187, %get3A_188] : memref<2x256x128xf32, #tpu.memory_space<vmem>> -> memref<1x256x128xf32, #tpu.memory_space<vmem>>
        %get3A_190 = tpu.memref_squeeze %get3A_189 : memref<1x256x128xf32, #tpu.memory_space<vmem>> -> memref<256x128xf32, #tpu.memory_space<vmem>>
        %get3A_191 = arith.index_cast %add3A_186 : i32 to index
        %get3A_192 = arith.constant 0 : index
        %get3A_193 = tpu.vector_load %get3A_190[%get3A_191, %get3A_192] {strides = array<i32>} : memref<256x128xf32, #tpu.memory_space<vmem>>, vector<1x16xf32>,
        %get3A_194 = vector.shape_cast %get3A_193 : vector<1x16xf32> to vector<16xf32>
        %add3A_195 = arith.addf %add3A_184, %get3A_194 : vector<16xf32>
        %add3A_196 = arith.constant 5 : i32
        %add3A_197 = arith.addi %mul3A_144, %add3A_196 : i32
        %get3A_198 = arith.constant 0 : i32
        %get3A_199 = arith.constant 0 : i32
        %get3A_200 = tpu.memref_slice %arg6[%scan3A_89, %get3A_198, %get3A_199] : memref<2x256x128xf32, #tpu.memory_space<vmem>> -> memref<1x256x128xf32, #tpu.memory_space<vmem>>
        %get3A_201 = tpu.memref_squeeze %get3A_200 : memref<1x256x128xf32, #tpu.memory_space<vmem>> -> memref<256x128xf32, #tpu.memory_space<vmem>>
        %get3A_202 = arith.index_cast %add3A_197 : i32 to index
        %get3A_203 = arith.constant 0 : index
        %get3A_204 = tpu.vector_load %get3A_201[%get3A_202, %get3A_203] {strides = array<i32>} : memref<256x128xf32, #tpu.memory_space<vmem>>, vector<1x16xf32>,
        %get3A_205 = vector.shape_cast %get3A_204 : vector<1x16xf32> to vector<16xf32>
        %add3A_206 = arith.addf %add3A_195, %get3A_205 : vector<16xf32>
        %add3A_207 = arith.constant 6 : i32
        %add3A_208 = arith.addi %mul3A_144, %add3A_207 : i32
        %get3A_209 = arith.constant 0 : i32
        %get3A_210 = arith.constant 0 : i32
        %get3A_211 = tpu.memref_slice %arg6[%scan3A_89, %get3A_209, %get3A_210] : memref<2x256x128xf32, #tpu.memory_space<vmem>> -> memref<1x256x128xf32, #tpu.memory_space<vmem>>
        %get3A_212 = tpu.memref_squeeze %get3A_211 : memref<1x256x128xf32, #tpu.memory_space<vmem>> -> memref<256x128xf32, #tpu.memory_space<vmem>>
        %get3A_213 = arith.index_cast %add3A_208 : i32 to index
        %get3A_214 = arith.constant 0 : index
        %get3A_215 = tpu.vector_load %get3A_212[%get3A_213, %get3A_214] {strides = array<i32>} : memref<256x128xf32, #tpu.memory_space<vmem>>, vector<1x16xf32>,
        %get3A_216 = vector.shape_cast %get3A_215 : vector<1x16xf32> to vector<16xf32>
        %add3A_217 = arith.addf %add3A_206, %get3A_216 : vector<16xf32>
        %add3A_218 = arith.constant 7 : i32
        %add3A_219 = arith.addi %mul3A_144, %add3A_218 : i32
        %get3A_220 = arith.constant 0 : i32
        %get3A_221 = arith.constant 0 : i32
        %get3A_222 = tpu.memref_slice %arg6[%scan3A_89, %get3A_220, %get3A_221] : memref<2x256x128xf32, #tpu.memory_space<vmem>> -> memref<1x256x128xf32, #tpu.memory_space<vmem>>
        %get3A_223 = tpu.memref_squeeze %get3A_222 : memref<1x256x128xf32, #tpu.memory_space<vmem>> -> memref<256x128xf32, #tpu.memory_space<vmem>>
        %get3A_224 = arith.index_cast %add3A_219 : i32 to index
        %get3A_225 = arith.constant 0 : index
        %get3A_226 = tpu.vector_load %get3A_223[%get3A_224, %get3A_225] {strides = array<i32>} : memref<256x128xf32, #tpu.memory_space<vmem>>, vector<1x16xf32>,
        %get3A_227 = vector.shape_cast %get3A_226 : vector<1x16xf32> to vector<16xf32>
        %add3A_228 = arith.addf %add3A_217, %get3A_227 : vector<16xf32>
        %add3A_229 = arith.constant 8 : i32
        %add3A_230 = arith.addi %mul3A_144, %add3A_229 : i32
        %get3A_231 = arith.constant 0 : i32
        %get3A_232 = arith.constant 0 : i32
        %get3A_233 = tpu.memref_slice %arg6[%scan3A_89, %get3A_231, %get3A_232] : memref<2x256x128xf32, #tpu.memory_space<vmem>> -> memref<1x256x128xf32, #tpu.memory_space<vmem>>
        %get3A_234 = tpu.memref_squeeze %get3A_233 : memref<1x256x128xf32, #tpu.memory_space<vmem>> -> memref<256x128xf32, #tpu.memory_space<vmem>>
        %get3A_235 = arith.index_cast %add3A_230 : i32 to index
        %get3A_236 = arith.constant 0 : index
        %get3A_237 = tpu.vector_load %get3A_234[%get3A_235, %get3A_236] {strides = array<i32>} : memref<256x128xf32, #tpu.memory_space<vmem>>, vector<1x16xf32>,
        %get3A_238 = vector.shape_cast %get3A_237 : vector<1x16xf32> to vector<16xf32>
        %add3A_239 = arith.addf %add3A_228, %get3A_238 : vector<16xf32>
        %add3A_240 = arith.constant 9 : i32
        %add3A_241 = arith.addi %mul3A_144, %add3A_240 : i32
        %get3A_242 = arith.constant 0 : i32
        %get3A_243 = arith.constant 0 : i32
        %get3A_244 = tpu.memref_slice %arg6[%scan3A_89, %get3A_242, %get3A_243] : memref<2x256x128xf32, #tpu.memory_space<vmem>> -> memref<1x256x128xf32, #tpu.memory_space<vmem>>
        %get3A_245 = tpu.memref_squeeze %get3A_244 : memref<1x256x128xf32, #tpu.memory_space<vmem>> -> memref<256x128xf32, #tpu.memory_space<vmem>>
        %get3A_246 = arith.index_cast %add3A_241 : i32 to index
        %get3A_247 = arith.constant 0 : index
        %get3A_248 = tpu.vector_load %get3A_245[%get3A_246, %get3A_247] {strides = array<i32>} : memref<256x128xf32, #tpu.memory_space<vmem>>, vector<1x16xf32>,
        %get3A_249 = vector.shape_cast %get3A_248 : vector<1x16xf32> to vector<16xf32>
        %add3A_250 = arith.addf %add3A_239, %get3A_249 : vector<16xf32>
        %add3A_251 = arith.constant 10 : i32
        %add3A_252 = arith.addi %mul3A_144, %add3A_251 : i32
        %get3A_253 = arith.constant 0 : i32
        %get3A_254 = arith.constant 0 : i32
        %get3A_255 = tpu.memref_slice %arg6[%scan3A_89, %get3A_253, %get3A_254] : memref<2x256x128xf32, #tpu.memory_space<vmem>> -> memref<1x256x128xf32, #tpu.memory_space<vmem>>
        %get3A_256 = tpu.memref_squeeze %get3A_255 : memref<1x256x128xf32, #tpu.memory_space<vmem>> -> memref<256x128xf32, #tpu.memory_space<vmem>>
        %get3A_257 = arith.index_cast %add3A_252 : i32 to index
        %get3A_258 = arith.constant 0 : index
        %get3A_259 = tpu.vector_load %get3A_256[%get3A_257, %get3A_258] {strides = array<i32>} : memref<256x128xf32, #tpu.memory_space<vmem>>, vector<1x16xf32>,
        %get3A_260 = vector.shape_cast %get3A_259 : vector<1x16xf32> to vector<16xf32>
        %add3A_261 = arith.addf %add3A_250, %get3A_260 : vector<16xf32>
        %add3A_262 = arith.constant 11 : i32
        %add3A_263 = arith.addi %mul3A_144, %add3A_262 : i32
        %get3A_264 = arith.constant 0 : i32
        %get3A_265 = arith.constant 0 : i32
        %get3A_266 = tpu.memref_slice %arg6[%scan3A_89, %get3A_264, %get3A_265] : memref<2x256x128xf32, #tpu.memory_space<vmem>> -> memref<1x256x128xf32, #tpu.memory_space<vmem>>
        %get3A_267 = tpu.memref_squeeze %get3A_266 : memref<1x256x128xf32, #tpu.memory_space<vmem>> -> memref<256x128xf32, #tpu.memory_space<vmem>>
        %get3A_268 = arith.index_cast %add3A_263 : i32 to index
        %get3A_269 = arith.constant 0 : index
        %get3A_270 = tpu.vector_load %get3A_267[%get3A_268, %get3A_269] {strides = array<i32>} : memref<256x128xf32, #tpu.memory_space<vmem>>, vector<1x16xf32>,
        %get3A_271 = vector.shape_cast %get3A_270 : vector<1x16xf32> to vector<16xf32>
        %add3A_272 = arith.addf %add3A_261, %get3A_271 : vector<16xf32>
        %add3A_273 = arith.constant 12 : i32
        %add3A_274 = arith.addi %mul3A_144, %add3A_273 : i32
        %get3A_275 = arith.constant 0 : i32
        %get3A_276 = arith.constant 0 : i32
        %get3A_277 = tpu.memref_slice %arg6[%scan3A_89, %get3A_275, %get3A_276] : memref<2x256x128xf32, #tpu.memory_space<vmem>> -> memref<1x256x128xf32, #tpu.memory_space<vmem>>
        %get3A_278 = tpu.memref_squeeze %get3A_277 : memref<1x256x128xf32, #tpu.memory_space<vmem>> -> memref<256x128xf32, #tpu.memory_space<vmem>>
        %get3A_279 = arith.index_cast %add3A_274 : i32 to index
        %get3A_280 = arith.constant 0 : index
        %get3A_281 = tpu.vector_load %get3A_278[%get3A_279, %get3A_280] {strides = array<i32>} : memref<256x128xf32, #tpu.memory_space<vmem>>, vector<1x16xf32>,
        %get3A_282 = vector.shape_cast %get3A_281 : vector<1x16xf32> to vector<16xf32>
        %add3A_283 = arith.addf %add3A_272, %get3A_282 : vector<16xf32>
        %add3A_284 = arith.constant 13 : i32
        %add3A_285 = arith.addi %mul3A_144, %add3A_284 : i32
        %get3A_286 = arith.constant 0 : i32
        %get3A_287 = arith.constant 0 : i32
        %get3A_288 = tpu.memref_slice %arg6[%scan3A_89, %get3A_286, %get3A_287] : memref<2x256x128xf32, #tpu.memory_space<vmem>> -> memref<1x256x128xf32, #tpu.memory_space<vmem>>
        %get3A_289 = tpu.memref_squeeze %get3A_288 : memref<1x256x128xf32, #tpu.memory_space<vmem>> -> memref<256x128xf32, #tpu.memory_space<vmem>>
        %get3A_290 = arith.index_cast %add3A_285 : i32 to index
        %get3A_291 = arith.constant 0 : index
        %get3A_292 = tpu.vector_load %get3A_289[%get3A_290, %get3A_291] {strides = array<i32>} : memref<256x128xf32, #tpu.memory_space<vmem>>, vector<1x16xf32>,
        %get3A_293 = vector.shape_cast %get3A_292 : vector<1x16xf32> to vector<16xf32>
        %add3A_294 = arith.addf %add3A_283, %get3A_293 : vector<16xf32>
        %add3A_295 = arith.constant 14 : i32
        %add3A_296 = arith.addi %mul3A_144, %add3A_295 : i32
        %get3A_297 = arith.constant 0 : i32
        %get3A_298 = arith.constant 0 : i32
        %get3A_299 = tpu.memref_slice %arg6[%scan3A_89, %get3A_297, %get3A_298] : memref<2x256x128xf32, #tpu.memory_space<vmem>> -> memref<1x256x128xf32, #tpu.memory_space<vmem>>
        %get3A_300 = tpu.memref_squeeze %get3A_299 : memref<1x256x128xf32, #tpu.memory_space<vmem>> -> memref<256x128xf32, #tpu.memory_space<vmem>>
        %get3A_301 = arith.index_cast %add3A_296 : i32 to index
        %get3A_302 = arith.constant 0 : index
        %get3A_303 = tpu.vector_load %get3A_300[%get3A_301, %get3A_302] {strides = array<i32>} : memref<256x128xf32, #tpu.memory_space<vmem>>, vector<1x16xf32>,
        %get3A_304 = vector.shape_cast %get3A_303 : vector<1x16xf32> to vector<16xf32>
        %add3A_305 = arith.addf %add3A_294, %get3A_304 : vector<16xf32>
        %add3A_306 = arith.constant 15 : i32
        %add3A_307 = arith.addi %mul3A_144, %add3A_306 : i32
        %get3A_308 = arith.constant 0 : i32
        %get3A_309 = arith.constant 0 : i32
        %get3A_310 = tpu.memref_slice %arg6[%scan3A_89, %get3A_308, %get3A_309] : memref<2x256x128xf32, #tpu.memory_space<vmem>> -> memref<1x256x128xf32, #tpu.memory_space<vmem>>
        %get3A_311 = tpu.memref_squeeze %get3A_310 : memref<1x256x128xf32, #tpu.memory_space<vmem>> -> memref<256x128xf32, #tpu.memory_space<vmem>>
        %get3A_312 = arith.index_cast %add3A_307 : i32 to index
        %get3A_313 = arith.constant 0 : index
        %get3A_314 = tpu.vector_load %get3A_311[%get3A_312, %get3A_313] {strides = array<i32>} : memref<256x128xf32, #tpu.memory_space<vmem>>, vector<1x16xf32>,
        %get3A_315 = vector.shape_cast %get3A_314 : vector<1x16xf32> to vector<16xf32>
        %add3A_316 = arith.addf %add3A_305, %get3A_315 : vector<16xf32>
        %swap3A = arith.index_cast %scan3A_142 : i32 to index
        %swap3A_317 = arith.constant 0 : index
        %swap3A_318 = tpu.vector_load %arg7[%swap3A, %swap3A_317] {strides = array<i32>} : memref<16x64xf32, #tpu.memory_space<vmem>>, vector<1x16xf32>,
        %swap3A_319 = vector.shape_cast %swap3A_318 : vector<1x16xf32> to vector<16xf32>
        %swap3A_320 = vector.shape_cast %add3A_316 : vector<16xf32> to vector<1x16xf32>
        tpu.vector_store %arg7[%swap3A, %swap3A_317], %swap3A_320 {strides = array<i32>} : memref<16x64xf32, #tpu.memory_space<vmem>>, vector<1x16xf32>,
        %get3A_321 = arith.constant 0 : i32
        %get3A_322 = arith.constant 0 : i32
        %get3A_323 = tpu.memref_slice %arg6[%scan3A_89, %get3A_321, %get3A_322] : memref<2x256x128xf32, #tpu.memory_space<vmem>> -> memref<1x256x128xf32, #tpu.memory_space<vmem>>
        %get3A_324 = tpu.memref_squeeze %get3A_323 : memref<1x256x128xf32, #tpu.memory_space<vmem>> -> memref<256x128xf32, #tpu.memory_space<vmem>>
        %get3A_325 = arith.index_cast %mul3A_144 : i32 to index
        %get3A_326 = arith.constant 16 : index
        %get3A_327 = tpu.vector_load %get3A_324[%get3A_325, %get3A_326] {strides = array<i32>} : memref<256x128xf32, #tpu.memory_space<vmem>>, vector<1x16xf32>,
        %get3A_328 = vector.shape_cast %get3A_327 : vector<1x16xf32> to vector<16xf32>
        %add3A_329 = arith.constant 1 : i32
        %add3A_330 = arith.addi %mul3A_144, %add3A_329 : i32
        %get3A_331 = arith.constant 0 : i32
        %get3A_332 = arith.constant 0 : i32
        %get3A_333 = tpu.memref_slice %arg6[%scan3A_89, %get3A_331, %get3A_332] : memref<2x256x128xf32, #tpu.memory_space<vmem>> -> memref<1x256x128xf32, #tpu.memory_space<vmem>>
        %get3A_334 = tpu.memref_squeeze %get3A_333 : memref<1x256x128xf32, #tpu.memory_space<vmem>> -> memref<256x128xf32, #tpu.memory_space<vmem>>
        %get3A_335 = arith.index_cast %add3A_330 : i32 to index
        %get3A_336 = arith.constant 16 : index
        %get3A_337 = tpu.vector_load %get3A_334[%get3A_335, %get3A_336] {strides = array<i32>} : memref<256x128xf32, #tpu.memory_space<vmem>>, vector<1x16xf32>,
        %get3A_338 = vector.shape_cast %get3A_337 : vector<1x16xf32> to vector<16xf32>
        %add3A_339 = arith.addf %get3A_328, %get3A_338 : vector<16xf32>
        %add3A_340 = arith.constant 2 : i32
        %add3A_341 = arith.addi %mul3A_144, %add3A_340 : i32
        %get3A_342 = arith.constant 0 : i32
        %get3A_343 = arith.constant 0 : i32
        %get3A_344 = tpu.memref_slice %arg6[%scan3A_89, %get3A_342, %get3A_343] : memref<2x256x128xf32, #tpu.memory_space<vmem>> -> memref<1x256x128xf32, #tpu.memory_space<vmem>>
        %get3A_345 = tpu.memref_squeeze %get3A_344 : memref<1x256x128xf32, #tpu.memory_space<vmem>> -> memref<256x128xf32, #tpu.memory_space<vmem>>
        %get3A_346 = arith.index_cast %add3A_341 : i32 to index
        %get3A_347 = arith.constant 16 : index
        %get3A_348 = tpu.vector_load %get3A_345[%get3A_346, %get3A_347] {strides = array<i32>} : memref<256x128xf32, #tpu.memory_space<vmem>>, vector<1x16xf32>,
        %get3A_349 = vector.shape_cast %get3A_348 : vector<1x16xf32> to vector<16xf32>
        %add3A_350 = arith.addf %add3A_339, %get3A_349 : vector<16xf32>
        %add3A_351 = arith.constant 3 : i32
        %add3A_352 = arith.addi %mul3A_144, %add3A_351 : i32
        %get3A_353 = arith.constant 0 : i32
        %get3A_354 = arith.constant 0 : i32
        %get3A_355 = tpu.memref_slice %arg6[%scan3A_89, %get3A_353, %get3A_354] : memref<2x256x128xf32, #tpu.memory_space<vmem>> -> memref<1x256x128xf32, #tpu.memory_space<vmem>>
        %get3A_356 = tpu.memref_squeeze %get3A_355 : memref<1x256x128xf32, #tpu.memory_space<vmem>> -> memref<256x128xf32, #tpu.memory_space<vmem>>
        %get3A_357 = arith.index_cast %add3A_352 : i32 to index
        %get3A_358 = arith.constant 16 : index
        %get3A_359 = tpu.vector_load %get3A_356[%get3A_357, %get3A_358] {strides = array<i32>} : memref<256x128xf32, #tpu.memory_space<vmem>>, vector<1x16xf32>,
        %get3A_360 = vector.shape_cast %get3A_359 : vector<1x16xf32> to vector<16xf32>
        %add3A_361 = arith.addf %add3A_350, %get3A_360 : vector<16xf32>
        %add3A_362 = arith.constant 4 : i32
        %add3A_363 = arith.addi %mul3A_144, %add3A_362 : i32
        %get3A_364 = arith.constant 0 : i32
        %get3A_365 = arith.constant 0 : i32
        %get3A_366 = tpu.memref_slice %arg6[%scan3A_89, %get3A_364, %get3A_365] : memref<2x256x128xf32, #tpu.memory_space<vmem>> -> memref<1x256x128xf32, #tpu.memory_space<vmem>>
        %get3A_367 = tpu.memref_squeeze %get3A_366 : memref<1x256x128xf32, #tpu.memory_space<vmem>> -> memref<256x128xf32, #tpu.memory_space<vmem>>
        %get3A_368 = arith.index_cast %add3A_363 : i32 to index
        %get3A_369 = arith.constant 16 : index
        %get3A_370 = tpu.vector_load %get3A_367[%get3A_368, %get3A_369] {strides = array<i32>} : memref<256x128xf32, #tpu.memory_space<vmem>>, vector<1x16xf32>,
        %get3A_371 = vector.shape_cast %get3A_370 : vector<1x16xf32> to vector<16xf32>
        %add3A_372 = arith.addf %add3A_361, %get3A_371 : vector<16xf32>
        %add3A_373 = arith.constant 5 : i32
        %add3A_374 = arith.addi %mul3A_144, %add3A_373 : i32
        %get3A_375 = arith.constant 0 : i32
        %get3A_376 = arith.constant 0 : i32
        %get3A_377 = tpu.memref_slice %arg6[%scan3A_89, %get3A_375, %get3A_376] : memref<2x256x128xf32, #tpu.memory_space<vmem>> -> memref<1x256x128xf32, #tpu.memory_space<vmem>>
        %get3A_378 = tpu.memref_squeeze %get3A_377 : memref<1x256x128xf32, #tpu.memory_space<vmem>> -> memref<256x128xf32, #tpu.memory_space<vmem>>
        %get3A_379 = arith.index_cast %add3A_374 : i32 to index
        %get3A_380 = arith.constant 16 : index
        %get3A_381 = tpu.vector_load %get3A_378[%get3A_379, %get3A_380] {strides = array<i32>} : memref<256x128xf32, #tpu.memory_space<vmem>>, vector<1x16xf32>,
        %get3A_382 = vector.shape_cast %get3A_381 : vector<1x16xf32> to vector<16xf32>
        %add3A_383 = arith.addf %add3A_372, %get3A_382 : vector<16xf32>
        %add3A_384 = arith.constant 6 : i32
        %add3A_385 = arith.addi %mul3A_144, %add3A_384 : i32
        %get3A_386 = arith.constant 0 : i32
        %get3A_387 = arith.constant 0 : i32
        %get3A_388 = tpu.memref_slice %arg6[%scan3A_89, %get3A_386, %get3A_387] : memref<2x256x128xf32, #tpu.memory_space<vmem>> -> memref<1x256x128xf32, #tpu.memory_space<vmem>>
        %get3A_389 = tpu.memref_squeeze %get3A_388 : memref<1x256x128xf32, #tpu.memory_space<vmem>> -> memref<256x128xf32, #tpu.memory_space<vmem>>
        %get3A_390 = arith.index_cast %add3A_385 : i32 to index
        %get3A_391 = arith.constant 16 : index
        %get3A_392 = tpu.vector_load %get3A_389[%get3A_390, %get3A_391] {strides = array<i32>} : memref<256x128xf32, #tpu.memory_space<vmem>>, vector<1x16xf32>,
        %get3A_393 = vector.shape_cast %get3A_392 : vector<1x16xf32> to vector<16xf32>
        %add3A_394 = arith.addf %add3A_383, %get3A_393 : vector<16xf32>
        %add3A_395 = arith.constant 7 : i32
        %add3A_396 = arith.addi %mul3A_144, %add3A_395 : i32
        %get3A_397 = arith.constant 0 : i32
        %get3A_398 = arith.constant 0 : i32
        %get3A_399 = tpu.memref_slice %arg6[%scan3A_89, %get3A_397, %get3A_398] : memref<2x256x128xf32, #tpu.memory_space<vmem>> -> memref<1x256x128xf32, #tpu.memory_space<vmem>>
        %get3A_400 = tpu.memref_squeeze %get3A_399 : memref<1x256x128xf32, #tpu.memory_space<vmem>> -> memref<256x128xf32, #tpu.memory_space<vmem>>
        %get3A_401 = arith.index_cast %add3A_396 : i32 to index
        %get3A_402 = arith.constant 16 : index
        %get3A_403 = tpu.vector_load %get3A_400[%get3A_401, %get3A_402] {strides = array<i32>} : memref<256x128xf32, #tpu.memory_space<vmem>>, vector<1x16xf32>,
        %get3A_404 = vector.shape_cast %get3A_403 : vector<1x16xf32> to vector<16xf32>
        %add3A_405 = arith.addf %add3A_394, %get3A_404 : vector<16xf32>
        %add3A_406 = arith.constant 8 : i32
        %add3A_407 = arith.addi %mul3A_144, %add3A_406 : i32
        %get3A_408 = arith.constant 0 : i32
        %get3A_409 = arith.constant 0 : i32
        %get3A_410 = tpu.memref_slice %arg6[%scan3A_89, %get3A_408, %get3A_409] : memref<2x256x128xf32, #tpu.memory_space<vmem>> -> memref<1x256x128xf32, #tpu.memory_space<vmem>>
        %get3A_411 = tpu.memref_squeeze %get3A_410 : memref<1x256x128xf32, #tpu.memory_space<vmem>> -> memref<256x128xf32, #tpu.memory_space<vmem>>
        %get3A_412 = arith.index_cast %add3A_407 : i32 to index
        %get3A_413 = arith.constant 16 : index
        %get3A_414 = tpu.vector_load %get3A_411[%get3A_412, %get3A_413] {strides = array<i32>} : memref<256x128xf32, #tpu.memory_space<vmem>>, vector<1x16xf32>,
        %get3A_415 = vector.shape_cast %get3A_414 : vector<1x16xf32> to vector<16xf32>
        %add3A_416 = arith.addf %add3A_405, %get3A_415 : vector<16xf32>
        %add3A_417 = arith.constant 9 : i32
        %add3A_418 = arith.addi %mul3A_144, %add3A_417 : i32
        %get3A_419 = arith.constant 0 : i32
        %get3A_420 = arith.constant 0 : i32
        %get3A_421 = tpu.memref_slice %arg6[%scan3A_89, %get3A_419, %get3A_420] : memref<2x256x128xf32, #tpu.memory_space<vmem>> -> memref<1x256x128xf32, #tpu.memory_space<vmem>>
        %get3A_422 = tpu.memref_squeeze %get3A_421 : memref<1x256x128xf32, #tpu.memory_space<vmem>> -> memref<256x128xf32, #tpu.memory_space<vmem>>
        %get3A_423 = arith.index_cast %add3A_418 : i32 to index
        %get3A_424 = arith.constant 16 : index
        %get3A_425 = tpu.vector_load %get3A_422[%get3A_423, %get3A_424] {strides = array<i32>} : memref<256x128xf32, #tpu.memory_space<vmem>>, vector<1x16xf32>,
        %get3A_426 = vector.shape_cast %get3A_425 : vector<1x16xf32> to vector<16xf32>
        %add3A_427 = arith.addf %add3A_416, %get3A_426 : vector<16xf32>
        %add3A_428 = arith.constant 10 : i32
        %add3A_429 = arith.addi %mul3A_144, %add3A_428 : i32
        %get3A_430 = arith.constant 0 : i32
        %get3A_431 = arith.constant 0 : i32
        %get3A_432 = tpu.memref_slice %arg6[%scan3A_89, %get3A_430, %get3A_431] : memref<2x256x128xf32, #tpu.memory_space<vmem>> -> memref<1x256x128xf32, #tpu.memory_space<vmem>>
        %get3A_433 = tpu.memref_squeeze %get3A_432 : memref<1x256x128xf32, #tpu.memory_space<vmem>> -> memref<256x128xf32, #tpu.memory_space<vmem>>
        %get3A_434 = arith.index_cast %add3A_429 : i32 to index
        %get3A_435 = arith.constant 16 : index
        %get3A_436 = tpu.vector_load %get3A_433[%get3A_434, %get3A_435] {strides = array<i32>} : memref<256x128xf32, #tpu.memory_space<vmem>>, vector<1x16xf32>,
        %get3A_437 = vector.shape_cast %get3A_436 : vector<1x16xf32> to vector<16xf32>
        %add3A_438 = arith.addf %add3A_427, %get3A_437 : vector<16xf32>
        %add3A_439 = arith.constant 11 : i32
        %add3A_440 = arith.addi %mul3A_144, %add3A_439 : i32
        %get3A_441 = arith.constant 0 : i32
        %get3A_442 = arith.constant 0 : i32
        %get3A_443 = tpu.memref_slice %arg6[%scan3A_89, %get3A_441, %get3A_442] : memref<2x256x128xf32, #tpu.memory_space<vmem>> -> memref<1x256x128xf32, #tpu.memory_space<vmem>>
        %get3A_444 = tpu.memref_squeeze %get3A_443 : memref<1x256x128xf32, #tpu.memory_space<vmem>> -> memref<256x128xf32, #tpu.memory_space<vmem>>
        %get3A_445 = arith.index_cast %add3A_440 : i32 to index
        %get3A_446 = arith.constant 16 : index
        %get3A_447 = tpu.vector_load %get3A_444[%get3A_445, %get3A_446] {strides = array<i32>} : memref<256x128xf32, #tpu.memory_space<vmem>>, vector<1x16xf32>,
        %get3A_448 = vector.shape_cast %get3A_447 : vector<1x16xf32> to vector<16xf32>
        %add3A_449 = arith.addf %add3A_438, %get3A_448 : vector<16xf32>
        %add3A_450 = arith.constant 12 : i32
        %add3A_451 = arith.addi %mul3A_144, %add3A_450 : i32
        %get3A_452 = arith.constant 0 : i32
        %get3A_453 = arith.constant 0 : i32
        %get3A_454 = tpu.memref_slice %arg6[%scan3A_89, %get3A_452, %get3A_453] : memref<2x256x128xf32, #tpu.memory_space<vmem>> -> memref<1x256x128xf32, #tpu.memory_space<vmem>>
        %get3A_455 = tpu.memref_squeeze %get3A_454 : memref<1x256x128xf32, #tpu.memory_space<vmem>> -> memref<256x128xf32, #tpu.memory_space<vmem>>
        %get3A_456 = arith.index_cast %add3A_451 : i32 to index
        %get3A_457 = arith.constant 16 : index
        %get3A_458 = tpu.vector_load %get3A_455[%get3A_456, %get3A_457] {strides = array<i32>} : memref<256x128xf32, #tpu.memory_space<vmem>>, vector<1x16xf32>,
        %get3A_459 = vector.shape_cast %get3A_458 : vector<1x16xf32> to vector<16xf32>
        %add3A_460 = arith.addf %add3A_449, %get3A_459 : vector<16xf32>
        %add3A_461 = arith.constant 13 : i32
        %add3A_462 = arith.addi %mul3A_144, %add3A_461 : i32
        %get3A_463 = arith.constant 0 : i32
        %get3A_464 = arith.constant 0 : i32
        %get3A_465 = tpu.memref_slice %arg6[%scan3A_89, %get3A_463, %get3A_464] : memref<2x256x128xf32, #tpu.memory_space<vmem>> -> memref<1x256x128xf32, #tpu.memory_space<vmem>>
        %get3A_466 = tpu.memref_squeeze %get3A_465 : memref<1x256x128xf32, #tpu.memory_space<vmem>> -> memref<256x128xf32, #tpu.memory_space<vmem>>
        %get3A_467 = arith.index_cast %add3A_462 : i32 to index
        %get3A_468 = arith.constant 16 : index
        %get3A_469 = tpu.vector_load %get3A_466[%get3A_467, %get3A_468] {strides = array<i32>} : memref<256x128xf32, #tpu.memory_space<vmem>>, vector<1x16xf32>,
        %get3A_470 = vector.shape_cast %get3A_469 : vector<1x16xf32> to vector<16xf32>
        %add3A_471 = arith.addf %add3A_460, %get3A_470 : vector<16xf32>
        %add3A_472 = arith.constant 14 : i32
        %add3A_473 = arith.addi %mul3A_144, %add3A_472 : i32
        %get3A_474 = arith.constant 0 : i32
        %get3A_475 = arith.constant 0 : i32
        %get3A_476 = tpu.memref_slice %arg6[%scan3A_89, %get3A_474, %get3A_475] : memref<2x256x128xf32, #tpu.memory_space<vmem>> -> memref<1x256x128xf32, #tpu.memory_space<vmem>>
        %get3A_477 = tpu.memref_squeeze %get3A_476 : memref<1x256x128xf32, #tpu.memory_space<vmem>> -> memref<256x128xf32, #tpu.memory_space<vmem>>
        %get3A_478 = arith.index_cast %add3A_473 : i32 to index
        %get3A_479 = arith.constant 16 : index
        %get3A_480 = tpu.vector_load %get3A_477[%get3A_478, %get3A_479] {strides = array<i32>} : memref<256x128xf32, #tpu.memory_space<vmem>>, vector<1x16xf32>,
        %get3A_481 = vector.shape_cast %get3A_480 : vector<1x16xf32> to vector<16xf32>
        %add3A_482 = arith.addf %add3A_471, %get3A_481 : vector<16xf32>
        %add3A_483 = arith.constant 15 : i32
        %add3A_484 = arith.addi %mul3A_144, %add3A_483 : i32
        %get3A_485 = arith.constant 0 : i32
        %get3A_486 = arith.constant 0 : i32
        %get3A_487 = tpu.memref_slice %arg6[%scan3A_89, %get3A_485, %get3A_486] : memref<2x256x128xf32, #tpu.memory_space<vmem>> -> memref<1x256x128xf32, #tpu.memory_space<vmem>>
        %get3A_488 = tpu.memref_squeeze %get3A_487 : memref<1x256x128xf32, #tpu.memory_space<vmem>> -> memref<256x128xf32, #tpu.memory_space<vmem>>
        %get3A_489 = arith.index_cast %add3A_484 : i32 to index
        %get3A_490 = arith.constant 16 : index
        %get3A_491 = tpu.vector_load %get3A_488[%get3A_489, %get3A_490] {strides = array<i32>} : memref<256x128xf32, #tpu.memory_space<vmem>>, vector<1x16xf32>,
        %get3A_492 = vector.shape_cast %get3A_491 : vector<1x16xf32> to vector<16xf32>
        %add3A_493 = arith.addf %add3A_482, %get3A_492 : vector<16xf32>
        %swap3A_494 = arith.index_cast %scan3A_142 : i32 to index
        %swap3A_495 = arith.constant 16 : index
        %swap3A_496 = tpu.vector_load %arg7[%swap3A_494, %swap3A_495] {strides = array<i32>} : memref<16x64xf32, #tpu.memory_space<vmem>>, vector<1x16xf32>,
        %swap3A_497 = vector.shape_cast %swap3A_496 : vector<1x16xf32> to vector<16xf32>
        %swap3A_498 = vector.shape_cast %add3A_493 : vector<16xf32> to vector<1x16xf32>
        tpu.vector_store %arg7[%swap3A_494, %swap3A_495], %swap3A_498 {strides = array<i32>} : memref<16x64xf32, #tpu.memory_space<vmem>>, vector<1x16xf32>,
        %get3A_499 = arith.constant 0 : i32
        %get3A_500 = arith.constant 0 : i32
        %get3A_501 = tpu.memref_slice %arg6[%scan3A_89, %get3A_499, %get3A_500] : memref<2x256x128xf32, #tpu.memory_space<vmem>> -> memref<1x256x128xf32, #tpu.memory_space<vmem>>
        %get3A_502 = tpu.memref_squeeze %get3A_501 : memref<1x256x128xf32, #tpu.memory_space<vmem>> -> memref<256x128xf32, #tpu.memory_space<vmem>>
        %get3A_503 = arith.index_cast %mul3A_144 : i32 to index
        %get3A_504 = arith.constant 32 : index
        %get3A_505 = tpu.vector_load %get3A_502[%get3A_503, %get3A_504] {strides = array<i32>} : memref<256x128xf32, #tpu.memory_space<vmem>>, vector<1x16xf32>,
        %get3A_506 = vector.shape_cast %get3A_505 : vector<1x16xf32> to vector<16xf32>
        %add3A_507 = arith.constant 1 : i32
        %add3A_508 = arith.addi %mul3A_144, %add3A_507 : i32
        %get3A_509 = arith.constant 0 : i32
        %get3A_510 = arith.constant 0 : i32
        %get3A_511 = tpu.memref_slice %arg6[%scan3A_89, %get3A_509, %get3A_510] : memref<2x256x128xf32, #tpu.memory_space<vmem>> -> memref<1x256x128xf32, #tpu.memory_space<vmem>>
        %get3A_512 = tpu.memref_squeeze %get3A_511 : memref<1x256x128xf32, #tpu.memory_space<vmem>> -> memref<256x128xf32, #tpu.memory_space<vmem>>
        %get3A_513 = arith.index_cast %add3A_508 : i32 to index
        %get3A_514 = arith.constant 32 : index
        %get3A_515 = tpu.vector_load %get3A_512[%get3A_513, %get3A_514] {strides = array<i32>} : memref<256x128xf32, #tpu.memory_space<vmem>>, vector<1x16xf32>,
        %get3A_516 = vector.shape_cast %get3A_515 : vector<1x16xf32> to vector<16xf32>
        %add3A_517 = arith.addf %get3A_506, %get3A_516 : vector<16xf32>
        %add3A_518 = arith.constant 2 : i32
        %add3A_519 = arith.addi %mul3A_144, %add3A_518 : i32
        %get3A_520 = arith.constant 0 : i32
        %get3A_521 = arith.constant 0 : i32
        %get3A_522 = tpu.memref_slice %arg6[%scan3A_89, %get3A_520, %get3A_521] : memref<2x256x128xf32, #tpu.memory_space<vmem>> -> memref<1x256x128xf32, #tpu.memory_space<vmem>>
        %get3A_523 = tpu.memref_squeeze %get3A_522 : memref<1x256x128xf32, #tpu.memory_space<vmem>> -> memref<256x128xf32, #tpu.memory_space<vmem>>
        %get3A_524 = arith.index_cast %add3A_519 : i32 to index
        %get3A_525 = arith.constant 32 : index
        %get3A_526 = tpu.vector_load %get3A_523[%get3A_524, %get3A_525] {strides = array<i32>} : memref<256x128xf32, #tpu.memory_space<vmem>>, vector<1x16xf32>,
        %get3A_527 = vector.shape_cast %get3A_526 : vector<1x16xf32> to vector<16xf32>
        %add3A_528 = arith.addf %add3A_517, %get3A_527 : vector<16xf32>
        %add3A_529 = arith.constant 3 : i32
        %add3A_530 = arith.addi %mul3A_144, %add3A_529 : i32
        %get3A_531 = arith.constant 0 : i32
        %get3A_532 = arith.constant 0 : i32
        %get3A_533 = tpu.memref_slice %arg6[%scan3A_89, %get3A_531, %get3A_532] : memref<2x256x128xf32, #tpu.memory_space<vmem>> -> memref<1x256x128xf32, #tpu.memory_space<vmem>>
        %get3A_534 = tpu.memref_squeeze %get3A_533 : memref<1x256x128xf32, #tpu.memory_space<vmem>> -> memref<256x128xf32, #tpu.memory_space<vmem>>
        %get3A_535 = arith.index_cast %add3A_530 : i32 to index
        %get3A_536 = arith.constant 32 : index
        %get3A_537 = tpu.vector_load %get3A_534[%get3A_535, %get3A_536] {strides = array<i32>} : memref<256x128xf32, #tpu.memory_space<vmem>>, vector<1x16xf32>,
        %get3A_538 = vector.shape_cast %get3A_537 : vector<1x16xf32> to vector<16xf32>
        %add3A_539 = arith.addf %add3A_528, %get3A_538 : vector<16xf32>
        %add3A_540 = arith.constant 4 : i32
        %add3A_541 = arith.addi %mul3A_144, %add3A_540 : i32
        %get3A_542 = arith.constant 0 : i32
        %get3A_543 = arith.constant 0 : i32
        %get3A_544 = tpu.memref_slice %arg6[%scan3A_89, %get3A_542, %get3A_543] : memref<2x256x128xf32, #tpu.memory_space<vmem>> -> memref<1x256x128xf32, #tpu.memory_space<vmem>>
        %get3A_545 = tpu.memref_squeeze %get3A_544 : memref<1x256x128xf32, #tpu.memory_space<vmem>> -> memref<256x128xf32, #tpu.memory_space<vmem>>
        %get3A_546 = arith.index_cast %add3A_541 : i32 to index
        %get3A_547 = arith.constant 32 : index
        %get3A_548 = tpu.vector_load %get3A_545[%get3A_546, %get3A_547] {strides = array<i32>} : memref<256x128xf32, #tpu.memory_space<vmem>>, vector<1x16xf32>,
        %get3A_549 = vector.shape_cast %get3A_548 : vector<1x16xf32> to vector<16xf32>
        %add3A_550 = arith.addf %add3A_539, %get3A_549 : vector<16xf32>
        %add3A_551 = arith.constant 5 : i32
        %add3A_552 = arith.addi %mul3A_144, %add3A_551 : i32
        %get3A_553 = arith.constant 0 : i32
        %get3A_554 = arith.constant 0 : i32
        %get3A_555 = tpu.memref_slice %arg6[%scan3A_89, %get3A_553, %get3A_554] : memref<2x256x128xf32, #tpu.memory_space<vmem>> -> memref<1x256x128xf32, #tpu.memory_space<vmem>>
        %get3A_556 = tpu.memref_squeeze %get3A_555 : memref<1x256x128xf32, #tpu.memory_space<vmem>> -> memref<256x128xf32, #tpu.memory_space<vmem>>
        %get3A_557 = arith.index_cast %add3A_552 : i32 to index
        %get3A_558 = arith.constant 32 : index
        %get3A_559 = tpu.vector_load %get3A_556[%get3A_557, %get3A_558] {strides = array<i32>} : memref<256x128xf32, #tpu.memory_space<vmem>>, vector<1x16xf32>,
        %get3A_560 = vector.shape_cast %get3A_559 : vector<1x16xf32> to vector<16xf32>
        %add3A_561 = arith.addf %add3A_550, %get3A_560 : vector<16xf32>
        %add3A_562 = arith.constant 6 : i32
        %add3A_563 = arith.addi %mul3A_144, %add3A_562 : i32
        %get3A_564 = arith.constant 0 : i32
        %get3A_565 = arith.constant 0 : i32
        %get3A_566 = tpu.memref_slice %arg6[%scan3A_89, %get3A_564, %get3A_565] : memref<2x256x128xf32, #tpu.memory_space<vmem>> -> memref<1x256x128xf32, #tpu.memory_space<vmem>>
        %get3A_567 = tpu.memref_squeeze %get3A_566 : memref<1x256x128xf32, #tpu.memory_space<vmem>> -> memref<256x128xf32, #tpu.memory_space<vmem>>
        %get3A_568 = arith.index_cast %add3A_563 : i32 to index
        %get3A_569 = arith.constant 32 : index
        %get3A_570 = tpu.vector_load %get3A_567[%get3A_568, %get3A_569] {strides = array<i32>} : memref<256x128xf32, #tpu.memory_space<vmem>>, vector<1x16xf32>,
        %get3A_571 = vector.shape_cast %get3A_570 : vector<1x16xf32> to vector<16xf32>
        %add3A_572 = arith.addf %add3A_561, %get3A_571 : vector<16xf32>
        %add3A_573 = arith.constant 7 : i32
        %add3A_574 = arith.addi %mul3A_144, %add3A_573 : i32
        %get3A_575 = arith.constant 0 : i32
        %get3A_576 = arith.constant 0 : i32
        %get3A_577 = tpu.memref_slice %arg6[%scan3A_89, %get3A_575, %get3A_576] : memref<2x256x128xf32, #tpu.memory_space<vmem>> -> memref<1x256x128xf32, #tpu.memory_space<vmem>>
        %get3A_578 = tpu.memref_squeeze %get3A_577 : memref<1x256x128xf32, #tpu.memory_space<vmem>> -> memref<256x128xf32, #tpu.memory_space<vmem>>
        %get3A_579 = arith.index_cast %add3A_574 : i32 to index
        %get3A_580 = arith.constant 32 : index
        %get3A_581 = tpu.vector_load %get3A_578[%get3A_579, %get3A_580] {strides = array<i32>} : memref<256x128xf32, #tpu.memory_space<vmem>>, vector<1x16xf32>,
        %get3A_582 = vector.shape_cast %get3A_581 : vector<1x16xf32> to vector<16xf32>
        %add3A_583 = arith.addf %add3A_572, %get3A_582 : vector<16xf32>
        %add3A_584 = arith.constant 8 : i32
        %add3A_585 = arith.addi %mul3A_144, %add3A_584 : i32
        %get3A_586 = arith.constant 0 : i32
        %get3A_587 = arith.constant 0 : i32
        %get3A_588 = tpu.memref_slice %arg6[%scan3A_89, %get3A_586, %get3A_587] : memref<2x256x128xf32, #tpu.memory_space<vmem>> -> memref<1x256x128xf32, #tpu.memory_space<vmem>>
        %get3A_589 = tpu.memref_squeeze %get3A_588 : memref<1x256x128xf32, #tpu.memory_space<vmem>> -> memref<256x128xf32, #tpu.memory_space<vmem>>
        %get3A_590 = arith.index_cast %add3A_585 : i32 to index
        %get3A_591 = arith.constant 32 : index
        %get3A_592 = tpu.vector_load %get3A_589[%get3A_590, %get3A_591] {strides = array<i32>} : memref<256x128xf32, #tpu.memory_space<vmem>>, vector<1x16xf32>,
        %get3A_593 = vector.shape_cast %get3A_592 : vector<1x16xf32> to vector<16xf32>
        %add3A_594 = arith.addf %add3A_583, %get3A_593 : vector<16xf32>
        %add3A_595 = arith.constant 9 : i32
        %add3A_596 = arith.addi %mul3A_144, %add3A_595 : i32
        %get3A_597 = arith.constant 0 : i32
        %get3A_598 = arith.constant 0 : i32
        %get3A_599 = tpu.memref_slice %arg6[%scan3A_89, %get3A_597, %get3A_598] : memref<2x256x128xf32, #tpu.memory_space<vmem>> -> memref<1x256x128xf32, #tpu.memory_space<vmem>>
        %get3A_600 = tpu.memref_squeeze %get3A_599 : memref<1x256x128xf32, #tpu.memory_space<vmem>> -> memref<256x128xf32, #tpu.memory_space<vmem>>
        %get3A_601 = arith.index_cast %add3A_596 : i32 to index
        %get3A_602 = arith.constant 32 : index
        %get3A_603 = tpu.vector_load %get3A_600[%get3A_601, %get3A_602] {strides = array<i32>} : memref<256x128xf32, #tpu.memory_space<vmem>>, vector<1x16xf32>,
        %get3A_604 = vector.shape_cast %get3A_603 : vector<1x16xf32> to vector<16xf32>
        %add3A_605 = arith.addf %add3A_594, %get3A_604 : vector<16xf32>
        %add3A_606 = arith.constant 10 : i32
        %add3A_607 = arith.addi %mul3A_144, %add3A_606 : i32
        %get3A_608 = arith.constant 0 : i32
        %get3A_609 = arith.constant 0 : i32
        %get3A_610 = tpu.memref_slice %arg6[%scan3A_89, %get3A_608, %get3A_609] : memref<2x256x128xf32, #tpu.memory_space<vmem>> -> memref<1x256x128xf32, #tpu.memory_space<vmem>>
        %get3A_611 = tpu.memref_squeeze %get3A_610 : memref<1x256x128xf32, #tpu.memory_space<vmem>> -> memref<256x128xf32, #tpu.memory_space<vmem>>
        %get3A_612 = arith.index_cast %add3A_607 : i32 to index
        %get3A_613 = arith.constant 32 : index
        %get3A_614 = tpu.vector_load %get3A_611[%get3A_612, %get3A_613] {strides = array<i32>} : memref<256x128xf32, #tpu.memory_space<vmem>>, vector<1x16xf32>,
        %get3A_615 = vector.shape_cast %get3A_614 : vector<1x16xf32> to vector<16xf32>
        %add3A_616 = arith.addf %add3A_605, %get3A_615 : vector<16xf32>
        %add3A_617 = arith.constant 11 : i32
        %add3A_618 = arith.addi %mul3A_144, %add3A_617 : i32
        %get3A_619 = arith.constant 0 : i32
        %get3A_620 = arith.constant 0 : i32
        %get3A_621 = tpu.memref_slice %arg6[%scan3A_89, %get3A_619, %get3A_620] : memref<2x256x128xf32, #tpu.memory_space<vmem>> -> memref<1x256x128xf32, #tpu.memory_space<vmem>>
        %get3A_622 = tpu.memref_squeeze %get3A_621 : memref<1x256x128xf32, #tpu.memory_space<vmem>> -> memref<256x128xf32, #tpu.memory_space<vmem>>
        %get3A_623 = arith.index_cast %add3A_618 : i32 to index
        %get3A_624 = arith.constant 32 : index
        %get3A_625 = tpu.vector_load %get3A_622[%get3A_623, %get3A_624] {strides = array<i32>} : memref<256x128xf32, #tpu.memory_space<vmem>>, vector<1x16xf32>,
        %get3A_626 = vector.shape_cast %get3A_625 : vector<1x16xf32> to vector<16xf32>
        %add3A_627 = arith.addf %add3A_616, %get3A_626 : vector<16xf32>
        %add3A_628 = arith.constant 12 : i32
        %add3A_629 = arith.addi %mul3A_144, %add3A_628 : i32
        %get3A_630 = arith.constant 0 : i32
        %get3A_631 = arith.constant 0 : i32
        %get3A_632 = tpu.memref_slice %arg6[%scan3A_89, %get3A_630, %get3A_631] : memref<2x256x128xf32, #tpu.memory_space<vmem>> -> memref<1x256x128xf32, #tpu.memory_space<vmem>>
        %get3A_633 = tpu.memref_squeeze %get3A_632 : memref<1x256x128xf32, #tpu.memory_space<vmem>> -> memref<256x128xf32, #tpu.memory_space<vmem>>
        %get3A_634 = arith.index_cast %add3A_629 : i32 to index
        %get3A_635 = arith.constant 32 : index
        %get3A_636 = tpu.vector_load %get3A_633[%get3A_634, %get3A_635] {strides = array<i32>} : memref<256x128xf32, #tpu.memory_space<vmem>>, vector<1x16xf32>,
        %get3A_637 = vector.shape_cast %get3A_636 : vector<1x16xf32> to vector<16xf32>
        %add3A_638 = arith.addf %add3A_627, %get3A_637 : vector<16xf32>
        %add3A_639 = arith.constant 13 : i32
        %add3A_640 = arith.addi %mul3A_144, %add3A_639 : i32
        %get3A_641 = arith.constant 0 : i32
        %get3A_642 = arith.constant 0 : i32
        %get3A_643 = tpu.memref_slice %arg6[%scan3A_89, %get3A_641, %get3A_642] : memref<2x256x128xf32, #tpu.memory_space<vmem>> -> memref<1x256x128xf32, #tpu.memory_space<vmem>>
        %get3A_644 = tpu.memref_squeeze %get3A_643 : memref<1x256x128xf32, #tpu.memory_space<vmem>> -> memref<256x128xf32, #tpu.memory_space<vmem>>
        %get3A_645 = arith.index_cast %add3A_640 : i32 to index
        %get3A_646 = arith.constant 32 : index
        %get3A_647 = tpu.vector_load %get3A_644[%get3A_645, %get3A_646] {strides = array<i32>} : memref<256x128xf32, #tpu.memory_space<vmem>>, vector<1x16xf32>,
        %get3A_648 = vector.shape_cast %get3A_647 : vector<1x16xf32> to vector<16xf32>
        %add3A_649 = arith.addf %add3A_638, %get3A_648 : vector<16xf32>
        %add3A_650 = arith.constant 14 : i32
        %add3A_651 = arith.addi %mul3A_144, %add3A_650 : i32
        %get3A_652 = arith.constant 0 : i32
        %get3A_653 = arith.constant 0 : i32
        %get3A_654 = tpu.memref_slice %arg6[%scan3A_89, %get3A_652, %get3A_653] : memref<2x256x128xf32, #tpu.memory_space<vmem>> -> memref<1x256x128xf32, #tpu.memory_space<vmem>>
        %get3A_655 = tpu.memref_squeeze %get3A_654 : memref<1x256x128xf32, #tpu.memory_space<vmem>> -> memref<256x128xf32, #tpu.memory_space<vmem>>
        %get3A_656 = arith.index_cast %add3A_651 : i32 to index
        %get3A_657 = arith.constant 32 : index
        %get3A_658 = tpu.vector_load %get3A_655[%get3A_656, %get3A_657] {strides = array<i32>} : memref<256x128xf32, #tpu.memory_space<vmem>>, vector<1x16xf32>,
        %get3A_659 = vector.shape_cast %get3A_658 : vector<1x16xf32> to vector<16xf32>
        %add3A_660 = arith.addf %add3A_649, %get3A_659 : vector<16xf32>
        %add3A_661 = arith.constant 15 : i32
        %add3A_662 = arith.addi %mul3A_144, %add3A_661 : i32
        %get3A_663 = arith.constant 0 : i32
        %get3A_664 = arith.constant 0 : i32
        %get3A_665 = tpu.memref_slice %arg6[%scan3A_89, %get3A_663, %get3A_664] : memref<2x256x128xf32, #tpu.memory_space<vmem>> -> memref<1x256x128xf32, #tpu.memory_space<vmem>>
        %get3A_666 = tpu.memref_squeeze %get3A_665 : memref<1x256x128xf32, #tpu.memory_space<vmem>> -> memref<256x128xf32, #tpu.memory_space<vmem>>
        %get3A_667 = arith.index_cast %add3A_662 : i32 to index
        %get3A_668 = arith.constant 32 : index
        %get3A_669 = tpu.vector_load %get3A_666[%get3A_667, %get3A_668] {strides = array<i32>} : memref<256x128xf32, #tpu.memory_space<vmem>>, vector<1x16xf32>,
        %get3A_670 = vector.shape_cast %get3A_669 : vector<1x16xf32> to vector<16xf32>
        %add3A_671 = arith.addf %add3A_660, %get3A_670 : vector<16xf32>
        %swap3A_672 = arith.index_cast %scan3A_142 : i32 to index
        %swap3A_673 = arith.constant 32 : index
        %swap3A_674 = tpu.vector_load %arg7[%swap3A_672, %swap3A_673] {strides = array<i32>} : memref<16x64xf32, #tpu.memory_space<vmem>>, vector<1x16xf32>,
        %swap3A_675 = vector.shape_cast %swap3A_674 : vector<1x16xf32> to vector<16xf32>
        %swap3A_676 = vector.shape_cast %add3A_671 : vector<16xf32> to vector<1x16xf32>
        tpu.vector_store %arg7[%swap3A_672, %swap3A_673], %swap3A_676 {strides = array<i32>} : memref<16x64xf32, #tpu.memory_space<vmem>>, vector<1x16xf32>,
        %get3A_677 = arith.constant 0 : i32
        %get3A_678 = arith.constant 0 : i32
        %get3A_679 = tpu.memref_slice %arg6[%scan3A_89, %get3A_677, %get3A_678] : memref<2x256x128xf32, #tpu.memory_space<vmem>> -> memref<1x256x128xf32, #tpu.memory_space<vmem>>
        %get3A_680 = tpu.memref_squeeze %get3A_679 : memref<1x256x128xf32, #tpu.memory_space<vmem>> -> memref<256x128xf32, #tpu.memory_space<vmem>>
        %get3A_681 = arith.index_cast %mul3A_144 : i32 to index
        %get3A_682 = arith.constant 48 : index
        %get3A_683 = tpu.vector_load %get3A_680[%get3A_681, %get3A_682] {strides = array<i32>} : memref<256x128xf32, #tpu.memory_space<vmem>>, vector<1x16xf32>,
        %get3A_684 = vector.shape_cast %get3A_683 : vector<1x16xf32> to vector<16xf32>
        %add3A_685 = arith.constant 1 : i32
        %add3A_686 = arith.addi %mul3A_144, %add3A_685 : i32
        %get3A_687 = arith.constant 0 : i32
        %get3A_688 = arith.constant 0 : i32
        %get3A_689 = tpu.memref_slice %arg6[%scan3A_89, %get3A_687, %get3A_688] : memref<2x256x128xf32, #tpu.memory_space<vmem>> -> memref<1x256x128xf32, #tpu.memory_space<vmem>>
        %get3A_690 = tpu.memref_squeeze %get3A_689 : memref<1x256x128xf32, #tpu.memory_space<vmem>> -> memref<256x128xf32, #tpu.memory_space<vmem>>
        %get3A_691 = arith.index_cast %add3A_686 : i32 to index
        %get3A_692 = arith.constant 48 : index
        %get3A_693 = tpu.vector_load %get3A_690[%get3A_691, %get3A_692] {strides = array<i32>} : memref<256x128xf32, #tpu.memory_space<vmem>>, vector<1x16xf32>,
        %get3A_694 = vector.shape_cast %get3A_693 : vector<1x16xf32> to vector<16xf32>
        %add3A_695 = arith.addf %get3A_684, %get3A_694 : vector<16xf32>
        %add3A_696 = arith.constant 2 : i32
        %add3A_697 = arith.addi %mul3A_144, %add3A_696 : i32
        %get3A_698 = arith.constant 0 : i32
        %get3A_699 = arith.constant 0 : i32
        %get3A_700 = tpu.memref_slice %arg6[%scan3A_89, %get3A_698, %get3A_699] : memref<2x256x128xf32, #tpu.memory_space<vmem>> -> memref<1x256x128xf32, #tpu.memory_space<vmem>>
        %get3A_701 = tpu.memref_squeeze %get3A_700 : memref<1x256x128xf32, #tpu.memory_space<vmem>> -> memref<256x128xf32, #tpu.memory_space<vmem>>
        %get3A_702 = arith.index_cast %add3A_697 : i32 to index
        %get3A_703 = arith.constant 48 : index
        %get3A_704 = tpu.vector_load %get3A_701[%get3A_702, %get3A_703] {strides = array<i32>} : memref<256x128xf32, #tpu.memory_space<vmem>>, vector<1x16xf32>,
        %get3A_705 = vector.shape_cast %get3A_704 : vector<1x16xf32> to vector<16xf32>
        %add3A_706 = arith.addf %add3A_695, %get3A_705 : vector<16xf32>
        %add3A_707 = arith.constant 3 : i32
        %add3A_708 = arith.addi %mul3A_144, %add3A_707 : i32
        %get3A_709 = arith.constant 0 : i32
        %get3A_710 = arith.constant 0 : i32
        %get3A_711 = tpu.memref_slice %arg6[%scan3A_89, %get3A_709, %get3A_710] : memref<2x256x128xf32, #tpu.memory_space<vmem>> -> memref<1x256x128xf32, #tpu.memory_space<vmem>>
        %get3A_712 = tpu.memref_squeeze %get3A_711 : memref<1x256x128xf32, #tpu.memory_space<vmem>> -> memref<256x128xf32, #tpu.memory_space<vmem>>
        %get3A_713 = arith.index_cast %add3A_708 : i32 to index
        %get3A_714 = arith.constant 48 : index
        %get3A_715 = tpu.vector_load %get3A_712[%get3A_713, %get3A_714] {strides = array<i32>} : memref<256x128xf32, #tpu.memory_space<vmem>>, vector<1x16xf32>,
        %get3A_716 = vector.shape_cast %get3A_715 : vector<1x16xf32> to vector<16xf32>
        %add3A_717 = arith.addf %add3A_706, %get3A_716 : vector<16xf32>
        %add3A_718 = arith.constant 4 : i32
        %add3A_719 = arith.addi %mul3A_144, %add3A_718 : i32
        %get3A_720 = arith.constant 0 : i32
        %get3A_721 = arith.constant 0 : i32
        %get3A_722 = tpu.memref_slice %arg6[%scan3A_89, %get3A_720, %get3A_721] : memref<2x256x128xf32, #tpu.memory_space<vmem>> -> memref<1x256x128xf32, #tpu.memory_space<vmem>>
        %get3A_723 = tpu.memref_squeeze %get3A_722 : memref<1x256x128xf32, #tpu.memory_space<vmem>> -> memref<256x128xf32, #tpu.memory_space<vmem>>
        %get3A_724 = arith.index_cast %add3A_719 : i32 to index
        %get3A_725 = arith.constant 48 : index
        %get3A_726 = tpu.vector_load %get3A_723[%get3A_724, %get3A_725] {strides = array<i32>} : memref<256x128xf32, #tpu.memory_space<vmem>>, vector<1x16xf32>,
        %get3A_727 = vector.shape_cast %get3A_726 : vector<1x16xf32> to vector<16xf32>
        %add3A_728 = arith.addf %add3A_717, %get3A_727 : vector<16xf32>
        %add3A_729 = arith.constant 5 : i32
        %add3A_730 = arith.addi %mul3A_144, %add3A_729 : i32
        %get3A_731 = arith.constant 0 : i32
        %get3A_732 = arith.constant 0 : i32
        %get3A_733 = tpu.memref_slice %arg6[%scan3A_89, %get3A_731, %get3A_732] : memref<2x256x128xf32, #tpu.memory_space<vmem>> -> memref<1x256x128xf32, #tpu.memory_space<vmem>>
        %get3A_734 = tpu.memref_squeeze %get3A_733 : memref<1x256x128xf32, #tpu.memory_space<vmem>> -> memref<256x128xf32, #tpu.memory_space<vmem>>
        %get3A_735 = arith.index_cast %add3A_730 : i32 to index
        %get3A_736 = arith.constant 48 : index
        %get3A_737 = tpu.vector_load %get3A_734[%get3A_735, %get3A_736] {strides = array<i32>} : memref<256x128xf32, #tpu.memory_space<vmem>>, vector<1x16xf32>,
        %get3A_738 = vector.shape_cast %get3A_737 : vector<1x16xf32> to vector<16xf32>
        %add3A_739 = arith.addf %add3A_728, %get3A_738 : vector<16xf32>
        %add3A_740 = arith.constant 6 : i32
        %add3A_741 = arith.addi %mul3A_144, %add3A_740 : i32
        %get3A_742 = arith.constant 0 : i32
        %get3A_743 = arith.constant 0 : i32
        %get3A_744 = tpu.memref_slice %arg6[%scan3A_89, %get3A_742, %get3A_743] : memref<2x256x128xf32, #tpu.memory_space<vmem>> -> memref<1x256x128xf32, #tpu.memory_space<vmem>>
        %get3A_745 = tpu.memref_squeeze %get3A_744 : memref<1x256x128xf32, #tpu.memory_space<vmem>> -> memref<256x128xf32, #tpu.memory_space<vmem>>
        %get3A_746 = arith.index_cast %add3A_741 : i32 to index
        %get3A_747 = arith.constant 48 : index
        %get3A_748 = tpu.vector_load %get3A_745[%get3A_746, %get3A_747] {strides = array<i32>} : memref<256x128xf32, #tpu.memory_space<vmem>>, vector<1x16xf32>,
        %get3A_749 = vector.shape_cast %get3A_748 : vector<1x16xf32> to vector<16xf32>
        %add3A_750 = arith.addf %add3A_739, %get3A_749 : vector<16xf32>
        %add3A_751 = arith.constant 7 : i32
        %add3A_752 = arith.addi %mul3A_144, %add3A_751 : i32
        %get3A_753 = arith.constant 0 : i32
        %get3A_754 = arith.constant 0 : i32
        %get3A_755 = tpu.memref_slice %arg6[%scan3A_89, %get3A_753, %get3A_754] : memref<2x256x128xf32, #tpu.memory_space<vmem>> -> memref<1x256x128xf32, #tpu.memory_space<vmem>>
        %get3A_756 = tpu.memref_squeeze %get3A_755 : memref<1x256x128xf32, #tpu.memory_space<vmem>> -> memref<256x128xf32, #tpu.memory_space<vmem>>
        %get3A_757 = arith.index_cast %add3A_752 : i32 to index
        %get3A_758 = arith.constant 48 : index
        %get3A_759 = tpu.vector_load %get3A_756[%get3A_757, %get3A_758] {strides = array<i32>} : memref<256x128xf32, #tpu.memory_space<vmem>>, vector<1x16xf32>,
        %get3A_760 = vector.shape_cast %get3A_759 : vector<1x16xf32> to vector<16xf32>
        %add3A_761 = arith.addf %add3A_750, %get3A_760 : vector<16xf32>
        %add3A_762 = arith.constant 8 : i32
        %add3A_763 = arith.addi %mul3A_144, %add3A_762 : i32
        %get3A_764 = arith.constant 0 : i32
        %get3A_765 = arith.constant 0 : i32
        %get3A_766 = tpu.memref_slice %arg6[%scan3A_89, %get3A_764, %get3A_765] : memref<2x256x128xf32, #tpu.memory_space<vmem>> -> memref<1x256x128xf32, #tpu.memory_space<vmem>>
        %get3A_767 = tpu.memref_squeeze %get3A_766 : memref<1x256x128xf32, #tpu.memory_space<vmem>> -> memref<256x128xf32, #tpu.memory_space<vmem>>
        %get3A_768 = arith.index_cast %add3A_763 : i32 to index
        %get3A_769 = arith.constant 48 : index
        %get3A_770 = tpu.vector_load %get3A_767[%get3A_768, %get3A_769] {strides = array<i32>} : memref<256x128xf32, #tpu.memory_space<vmem>>, vector<1x16xf32>,
        %get3A_771 = vector.shape_cast %get3A_770 : vector<1x16xf32> to vector<16xf32>
        %add3A_772 = arith.addf %add3A_761, %get3A_771 : vector<16xf32>
        %add3A_773 = arith.constant 9 : i32
        %add3A_774 = arith.addi %mul3A_144, %add3A_773 : i32
        %get3A_775 = arith.constant 0 : i32
        %get3A_776 = arith.constant 0 : i32
        %get3A_777 = tpu.memref_slice %arg6[%scan3A_89, %get3A_775, %get3A_776] : memref<2x256x128xf32, #tpu.memory_space<vmem>> -> memref<1x256x128xf32, #tpu.memory_space<vmem>>
        %get3A_778 = tpu.memref_squeeze %get3A_777 : memref<1x256x128xf32, #tpu.memory_space<vmem>> -> memref<256x128xf32, #tpu.memory_space<vmem>>
        %get3A_779 = arith.index_cast %add3A_774 : i32 to index
        %get3A_780 = arith.constant 48 : index
        %get3A_781 = tpu.vector_load %get3A_778[%get3A_779, %get3A_780] {strides = array<i32>} : memref<256x128xf32, #tpu.memory_space<vmem>>, vector<1x16xf32>,
        %get3A_782 = vector.shape_cast %get3A_781 : vector<1x16xf32> to vector<16xf32>
        %add3A_783 = arith.addf %add3A_772, %get3A_782 : vector<16xf32>
        %add3A_784 = arith.constant 10 : i32
        %add3A_785 = arith.addi %mul3A_144, %add3A_784 : i32
        %get3A_786 = arith.constant 0 : i32
        %get3A_787 = arith.constant 0 : i32
        %get3A_788 = tpu.memref_slice %arg6[%scan3A_89, %get3A_786, %get3A_787] : memref<2x256x128xf32, #tpu.memory_space<vmem>> -> memref<1x256x128xf32, #tpu.memory_space<vmem>>
        %get3A_789 = tpu.memref_squeeze %get3A_788 : memref<1x256x128xf32, #tpu.memory_space<vmem>> -> memref<256x128xf32, #tpu.memory_space<vmem>>
        %get3A_790 = arith.index_cast %add3A_785 : i32 to index
        %get3A_791 = arith.constant 48 : index
        %get3A_792 = tpu.vector_load %get3A_789[%get3A_790, %get3A_791] {strides = array<i32>} : memref<256x128xf32, #tpu.memory_space<vmem>>, vector<1x16xf32>,
        %get3A_793 = vector.shape_cast %get3A_792 : vector<1x16xf32> to vector<16xf32>
        %add3A_794 = arith.addf %add3A_783, %get3A_793 : vector<16xf32>
        %add3A_795 = arith.constant 11 : i32
        %add3A_796 = arith.addi %mul3A_144, %add3A_795 : i32
        %get3A_797 = arith.constant 0 : i32
        %get3A_798 = arith.constant 0 : i32
        %get3A_799 = tpu.memref_slice %arg6[%scan3A_89, %get3A_797, %get3A_798] : memref<2x256x128xf32, #tpu.memory_space<vmem>> -> memref<1x256x128xf32, #tpu.memory_space<vmem>>
        %get3A_800 = tpu.memref_squeeze %get3A_799 : memref<1x256x128xf32, #tpu.memory_space<vmem>> -> memref<256x128xf32, #tpu.memory_space<vmem>>
        %get3A_801 = arith.index_cast %add3A_796 : i32 to index
        %get3A_802 = arith.constant 48 : index
        %get3A_803 = tpu.vector_load %get3A_800[%get3A_801, %get3A_802] {strides = array<i32>} : memref<256x128xf32, #tpu.memory_space<vmem>>, vector<1x16xf32>,
        %get3A_804 = vector.shape_cast %get3A_803 : vector<1x16xf32> to vector<16xf32>
        %add3A_805 = arith.addf %add3A_794, %get3A_804 : vector<16xf32>
        %add3A_806 = arith.constant 12 : i32
        %add3A_807 = arith.addi %mul3A_144, %add3A_806 : i32
        %get3A_808 = arith.constant 0 : i32
        %get3A_809 = arith.constant 0 : i32
        %get3A_810 = tpu.memref_slice %arg6[%scan3A_89, %get3A_808, %get3A_809] : memref<2x256x128xf32, #tpu.memory_space<vmem>> -> memref<1x256x128xf32, #tpu.memory_space<vmem>>
        %get3A_811 = tpu.memref_squeeze %get3A_810 : memref<1x256x128xf32, #tpu.memory_space<vmem>> -> memref<256x128xf32, #tpu.memory_space<vmem>>
        %get3A_812 = arith.index_cast %add3A_807 : i32 to index
        %get3A_813 = arith.constant 48 : index
        %get3A_814 = tpu.vector_load %get3A_811[%get3A_812, %get3A_813] {strides = array<i32>} : memref<256x128xf32, #tpu.memory_space<vmem>>, vector<1x16xf32>,
        %get3A_815 = vector.shape_cast %get3A_814 : vector<1x16xf32> to vector<16xf32>
        %add3A_816 = arith.addf %add3A_805, %get3A_815 : vector<16xf32>
        %add3A_817 = arith.constant 13 : i32
        %add3A_818 = arith.addi %mul3A_144, %add3A_817 : i32
        %get3A_819 = arith.constant 0 : i32
        %get3A_820 = arith.constant 0 : i32
        %get3A_821 = tpu.memref_slice %arg6[%scan3A_89, %get3A_819, %get3A_820] : memref<2x256x128xf32, #tpu.memory_space<vmem>> -> memref<1x256x128xf32, #tpu.memory_space<vmem>>
        %get3A_822 = tpu.memref_squeeze %get3A_821 : memref<1x256x128xf32, #tpu.memory_space<vmem>> -> memref<256x128xf32, #tpu.memory_space<vmem>>
        %get3A_823 = arith.index_cast %add3A_818 : i32 to index
        %get3A_824 = arith.constant 48 : index
        %get3A_825 = tpu.vector_load %get3A_822[%get3A_823, %get3A_824] {strides = array<i32>} : memref<256x128xf32, #tpu.memory_space<vmem>>, vector<1x16xf32>,
        %get3A_826 = vector.shape_cast %get3A_825 : vector<1x16xf32> to vector<16xf32>
        %add3A_827 = arith.addf %add3A_816, %get3A_826 : vector<16xf32>
        %add3A_828 = arith.constant 14 : i32
        %add3A_829 = arith.addi %mul3A_144, %add3A_828 : i32
        %get3A_830 = arith.constant 0 : i32
        %get3A_831 = arith.constant 0 : i32
        %get3A_832 = tpu.memref_slice %arg6[%scan3A_89, %get3A_830, %get3A_831] : memref<2x256x128xf32, #tpu.memory_space<vmem>> -> memref<1x256x128xf32, #tpu.memory_space<vmem>>
        %get3A_833 = tpu.memref_squeeze %get3A_832 : memref<1x256x128xf32, #tpu.memory_space<vmem>> -> memref<256x128xf32, #tpu.memory_space<vmem>>
        %get3A_834 = arith.index_cast %add3A_829 : i32 to index
        %get3A_835 = arith.constant 48 : index
        %get3A_836 = tpu.vector_load %get3A_833[%get3A_834, %get3A_835] {strides = array<i32>} : memref<256x128xf32, #tpu.memory_space<vmem>>, vector<1x16xf32>,
        %get3A_837 = vector.shape_cast %get3A_836 : vector<1x16xf32> to vector<16xf32>
        %add3A_838 = arith.addf %add3A_827, %get3A_837 : vector<16xf32>
        %add3A_839 = arith.constant 15 : i32
        %add3A_840 = arith.addi %mul3A_144, %add3A_839 : i32
        %get3A_841 = arith.constant 0 : i32
        %get3A_842 = arith.constant 0 : i32
        %get3A_843 = tpu.memref_slice %arg6[%scan3A_89, %get3A_841, %get3A_842] : memref<2x256x128xf32, #tpu.memory_space<vmem>> -> memref<1x256x128xf32, #tpu.memory_space<vmem>>
        %get3A_844 = tpu.memref_squeeze %get3A_843 : memref<1x256x128xf32, #tpu.memory_space<vmem>> -> memref<256x128xf32, #tpu.memory_space<vmem>>
        %get3A_845 = arith.index_cast %add3A_840 : i32 to index
        %get3A_846 = arith.constant 48 : index
        %get3A_847 = tpu.vector_load %get3A_844[%get3A_845, %get3A_846] {strides = array<i32>} : memref<256x128xf32, #tpu.memory_space<vmem>>, vector<1x16xf32>,
        %get3A_848 = vector.shape_cast %get3A_847 : vector<1x16xf32> to vector<16xf32>
        %add3A_849 = arith.addf %add3A_838, %get3A_848 : vector<16xf32>
        %swap3A_850 = arith.index_cast %scan3A_142 : i32 to index
        %swap3A_851 = arith.constant 48 : index
        %swap3A_852 = tpu.vector_load %arg7[%swap3A_850, %swap3A_851] {strides = array<i32>} : memref<16x64xf32, #tpu.memory_space<vmem>>, vector<1x16xf32>,
        %swap3A_853 = vector.shape_cast %swap3A_852 : vector<1x16xf32> to vector<16xf32>
        %swap3A_854 = vector.shape_cast %add3A_849 : vector<16xf32> to vector<1x16xf32>
        tpu.vector_store %arg7[%swap3A_850, %swap3A_851], %swap3A_854 {strides = array<i32>} : memref<16x64xf32, #tpu.memory_space<vmem>>, vector<1x16xf32>,
      }
      %scan3A_94 = arith.constant 16 : i32
      %mul3A_95 = arith.constant 16 : i32
      %mul3A_96 = arith.muli %add3A_87, %mul3A_95 : i32
      "tpu.region"() ({
        %run_scoped3A = tpu.sem_alloc : memref<!tpu.dma_semaphore, #tpu.memory_space<semaphore_mem>>
        %dma_start3A_142 = arith.constant 0 : i32
        %dma_start3A_143 = tpu.memref_slice %arg4[%mul3A_96, %dma_start3A_142] : memref<51200x64xf32, #tpu.memory_space<hbm>> -> memref<16x64xf32, #tpu.memory_space<hbm>>
        %dma_start3A_144 = arith.constant 0 : i32
        %dma_start3A_145 = tpu.memref_slice %arg4[%mul3A_96, %dma_start3A_144] : memref<51200x64xf32, #tpu.memory_space<hbm>> -> memref<16x64xf32, #tpu.memory_space<hbm>>
        tpu.enqueue_dma source(%arg7 : memref<16x64xf32, #tpu.memory_space<vmem>>) target(%dma_start3A_145 : memref<16x64xf32, #tpu.memory_space<hbm>>) target_semaphore(%run_scoped3A : memref<!tpu.dma_semaphore, #tpu.memory_space<semaphore_mem>>)
        %dma_wait3A_146 = arith.constant 0 : i32
        %dma_wait3A_147 = tpu.memref_slice %arg4[%mul3A_96, %dma_wait3A_146] : memref<51200x64xf32, #tpu.memory_space<hbm>> -> memref<16x64xf32, #tpu.memory_space<hbm>>
        %dma_wait3A_148 = arith.constant 0 : i32
        %dma_wait3A_149 = tpu.memref_slice %arg4[%mul3A_96, %dma_wait3A_148] : memref<51200x64xf32, #tpu.memory_space<hbm>> -> memref<16x64xf32, #tpu.memory_space<hbm>>
        tpu.wait_dma2 semaphore(%run_scoped3A : memref<!tpu.dma_semaphore, #tpu.memory_space<semaphore_mem>>) src(%arg7 : memref<16x64xf32, #tpu.memory_space<vmem>>) dst(%dma_wait3A_149 : memref<16x64xf32, #tpu.memory_space<hbm>>)
        tpu.yield
      }) : () -> ()
      %lt3A = arith.constant 49 : i32
      %lt3A_97 = arith.cmpi slt, %scan3A_59, %lt3A : i32
      %convert_element_type3A = arith.extui %lt3A_97 : i1 to i32
      %cond3A = arith.constant 0 : i32
      %cond3A_98 = arith.cmpi ne, %convert_element_type3A, %cond3A : i32
      scf.if %cond3A_98 {
        %add3A_142 = arith.constant 2 : i32
        %add3A_143 = arith.addi %add3A_63, %add3A_142 : i32
        %dma_start3A_144 = arith.constant 0 : i32
        %dma_start3A_145 = arith.constant 0 : i32
        %dma_start3A_146 = arith.constant 0 : i32
        %dma_start3A_147 = arith.constant 0 : i32
        %dma_start3A_148 = tpu.memref_slice %arg6[%dma_start3A_145, %dma_start3A_146, %dma_start3A_147] : memref<2x256x128xf32, #tpu.memory_space<vmem>> -> memref<1x128x128xf32, #tpu.memory_space<vmem>>
        %dma_start3A_149 = tpu.memref_squeeze %dma_start3A_148 : memref<1x128x128xf32, #tpu.memory_space<vmem>> -> memref<128x128xf32, #tpu.memory_space<vmem>>
        %dma_start3A_150 = arith.constant 0 : i32
        %dma_start3A_151 = tpu.memref_slice %arg5[%add3A_143, %dma_start3A_144, %dma_start3A_150] : memref<100x2x128xi32, #tpu.memory_space<vmem>> -> memref<1x1x128xi32, #tpu.memory_space<vmem>>
        %dma_start3A_152 = tpu.memref_squeeze %dma_start3A_151 : memref<1x1x128xi32, #tpu.memory_space<vmem>> -> memref<128xi32, #tpu.memory_space<vmem>>
        %dma_start3A_153 = arith.constant 0 : i32
        %dma_start3A_154 = arith.constant 0 : i32
        %dma_start3A_155 = tpu.memref_slice %arg3[%dma_start3A_153, %dma_start3A_154] : memref<1000000x128xf32, #tpu.memory_space<hbm>> -> memref<1000000x128xf32, #tpu.memory_space<hbm>>
        tpu.enqueue_indirect_dma source(%dma_start3A_155 : memref<1000000x128xf32, #tpu.memory_space<hbm>>) target(%dma_start3A_149 : memref<128x128xf32, #tpu.memory_space<vmem>>) offsets(%dma_start3A_152 : memref<128xi32, #tpu.memory_space<vmem>>) semaphore(%arg8 : memref<!tpu.dma_semaphore, #tpu.memory_space<semaphore_mem>>)
        %dma_start3A_156 = arith.constant 1 : i32
        %dma_start3A_157 = arith.constant 0 : i32
        %dma_start3A_158 = arith.constant 128 : i32
        %dma_start3A_159 = arith.constant 0 : i32
        %dma_start3A_160 = tpu.memref_slice %arg6[%dma_start3A_157, %dma_start3A_158, %dma_start3A_159] : memref<2x256x128xf32, #tpu.memory_space<vmem>> -> memref<1x128x128xf32, #tpu.memory_space<vmem>>
        %dma_start3A_161 = tpu.memref_squeeze %dma_start3A_160 : memref<1x128x128xf32, #tpu.memory_space<vmem>> -> memref<128x128xf32, #tpu.memory_space<vmem>>
        %dma_start3A_162 = arith.constant 0 : i32
        %dma_start3A_163 = tpu.memref_slice %arg5[%add3A_143, %dma_start3A_156, %dma_start3A_162] : memref<100x2x128xi32, #tpu.memory_space<vmem>> -> memref<1x1x128xi32, #tpu.memory_space<vmem>>
        %dma_start3A_164 = tpu.memref_squeeze %dma_start3A_163 : memref<1x1x128xi32, #tpu.memory_space<vmem>> -> memref<128xi32, #tpu.memory_space<vmem>>
        %dma_start3A_165 = arith.constant 0 : i32
        %dma_start3A_166 = arith.constant 0 : i32
        %dma_start3A_167 = tpu.memref_slice %arg3[%dma_start3A_165, %dma_start3A_166] : memref<1000000x128xf32, #tpu.memory_space<hbm>> -> memref<1000000x128xf32, #tpu.memory_space<hbm>>
        tpu.enqueue_indirect_dma source(%dma_start3A_167 : memref<1000000x128xf32, #tpu.memory_space<hbm>>) target(%dma_start3A_161 : memref<128x128xf32, #tpu.memory_space<vmem>>) offsets(%dma_start3A_164 : memref<128xi32, #tpu.memory_space<vmem>>) semaphore(%arg8 : memref<!tpu.dma_semaphore, #tpu.memory_space<semaphore_mem>>)
      } else {
      }
      %mul3A_99 = arith.constant 2 : i32
      %mul3A_100 = arith.muli %mul3A_99, %scan3A_59 : i32
      %add3A_101 = arith.constant 1 : i32
      %add3A_102 = arith.addi %mul3A_100, %add3A_101 : i32
      %dma_wait3A_103 = arith.constant 0 : i32
      %dma_wait3A_104 = arith.constant 1 : i32
      %dma_wait3A_105 = arith.constant 0 : i32
      %dma_wait3A_106 = arith.constant 0 : i32
      %dma_wait3A_107 = tpu.memref_slice %arg6[%dma_wait3A_104, %dma_wait3A_105, %dma_wait3A_106] : memref<2x256x128xf32, #tpu.memory_space<vmem>> -> memref<1x128x128xf32, #tpu.memory_space<vmem>>
      %dma_wait3A_108 = tpu.memref_squeeze %dma_wait3A_107 : memref<1x128x128xf32, #tpu.memory_space<vmem>> -> memref<128x128xf32, #tpu.memory_space<vmem>>
      %dma_wait3A_109 = arith.constant 0 : i32
      %dma_wait3A_110 = tpu.memref_slice %arg5[%add3A_102, %dma_wait3A_103, %dma_wait3A_109] : memref<100x2x128xi32, #tpu.memory_space<vmem>> -> memref<1x1x128xi32, #tpu.memory_space<vmem>>
      %dma_wait3A_111 = tpu.memref_squeeze %dma_wait3A_110 : memref<1x1x128xi32, #tpu.memory_space<vmem>> -> memref<128xi32, #tpu.memory_space<vmem>>
      %dma_wait3A_112 = arith.constant 0 : i32
      %dma_wait3A_113 = arith.constant 0 : i32
      %dma_wait3A_114 = tpu.memref_slice %arg3[%dma_wait3A_112, %dma_wait3A_113] : memref<1000000x128xf32, #tpu.memory_space<hbm>> -> memref<1000000x128xf32, #tpu.memory_space<hbm>>
      tpu.wait_indirect_dma semaphore(%arg9 : memref<!tpu.dma_semaphore, #tpu.memory_space<semaphore_mem>>) src(%dma_wait3A_114 : memref<1000000x128xf32, #tpu.memory_space<hbm>>) dst(%dma_wait3A_108 : memref<128x128xf32, #tpu.memory_space<vmem>>)
      %dma_wait3A_115 = arith.constant 1 : i32
      %dma_wait3A_116 = arith.constant 1 : i32
      %dma_wait3A_117 = arith.constant 128 : i32
      %dma_wait3A_118 = arith.constant 0 : i32
      %dma_wait3A_119 = tpu.memref_slice %arg6[%dma_wait3A_116, %dma_wait3A_117, %dma_wait3A_118] : memref<2x256x128xf32, #tpu.memory_space<vmem>> -> memref<1x128x128xf32, #tpu.memory_space<vmem>>
      %dma_wait3A_120 = tpu.memref_squeeze %dma_wait3A_119 : memref<1x128x128xf32, #tpu.memory_space<vmem>> -> memref<128x128xf32, #tpu.memory_space<vmem>>
      %dma_wait3A_121 = arith.constant 0 : i32
      %dma_wait3A_122 = tpu.memref_slice %arg5[%add3A_102, %dma_wait3A_115, %dma_wait3A_121] : memref<100x2x128xi32, #tpu.memory_space<vmem>> -> memref<1x1x128xi32, #tpu.memory_space<vmem>>
      %dma_wait3A_123 = tpu.memref_squeeze %dma_wait3A_122 : memref<1x1x128xi32, #tpu.memory_space<vmem>> -> memref<128xi32, #tpu.memory_space<vmem>>
      %dma_wait3A_124 = arith.constant 0 : i32
      %dma_wait3A_125 = arith.constant 0 : i32
      %dma_wait3A_126 = tpu.memref_slice %arg3[%dma_wait3A_124, %dma_wait3A_125] : memref<1000000x128xf32, #tpu.memory_space<hbm>> -> memref<1000000x128xf32, #tpu.memory_space<hbm>>
      tpu.wait_indirect_dma semaphore(%arg9 : memref<!tpu.dma_semaphore, #tpu.memory_space<semaphore_mem>>) src(%dma_wait3A_126 : memref<1000000x128xf32, #tpu.memory_space<hbm>>) dst(%dma_wait3A_120 : memref<128x128xf32, #tpu.memory_space<vmem>>)
      %add3A_127 = arith.addi %mul3A_2, %add3A_102 : i32
      %scan3A_128 = arith.constant 0 : i32
      %scan3A_129 = arith.constant 1 : i32
      %scan3A_130 = arith.constant 0 : i32
      %scan3A_131 = arith.constant 16 : i32
      %scan3A_132 = arith.addi %scan3A_130, %scan3A_131 : i32
      %scan3A_133 = arith.constant 1 : i32
      scf.for %scan3A_142 = %scan3A_130 to %scan3A_132 step %scan3A_133  : i32 {
        %mul3A_143 = arith.constant 16 : i32
        %mul3A_144 = arith.muli %scan3A_142, %mul3A_143 : i32
        %get3A = arith.constant 0 : i32
        %get3A_145 = arith.constant 0 : i32
        %get3A_146 = tpu.memref_slice %arg6[%scan3A_129, %get3A, %get3A_145] : memref<2x256x128xf32, #tpu.memory_space<vmem>> -> memref<1x256x128xf32, #tpu.memory_space<vmem>>
        %get3A_147 = tpu.memref_squeeze %get3A_146 : memref<1x256x128xf32, #tpu.memory_space<vmem>> -> memref<256x128xf32, #tpu.memory_space<vmem>>
        %get3A_148 = arith.index_cast %mul3A_144 : i32 to index
        %get3A_149 = arith.constant 0 : index
        %get3A_150 = tpu.vector_load %get3A_147[%get3A_148, %get3A_149] {strides = array<i32>} : memref<256x128xf32, #tpu.memory_space<vmem>>, vector<1x16xf32>,
        %get3A_151 = vector.shape_cast %get3A_150 : vector<1x16xf32> to vector<16xf32>
        %add3A_152 = arith.constant 1 : i32
        %add3A_153 = arith.addi %mul3A_144, %add3A_152 : i32
        %get3A_154 = arith.constant 0 : i32
        %get3A_155 = arith.constant 0 : i32
        %get3A_156 = tpu.memref_slice %arg6[%scan3A_129, %get3A_154, %get3A_155] : memref<2x256x128xf32, #tpu.memory_space<vmem>> -> memref<1x256x128xf32, #tpu.memory_space<vmem>>
        %get3A_157 = tpu.memref_squeeze %get3A_156 : memref<1x256x128xf32, #tpu.memory_space<vmem>> -> memref<256x128xf32, #tpu.memory_space<vmem>>
        %get3A_158 = arith.index_cast %add3A_153 : i32 to index
        %get3A_159 = arith.constant 0 : index
        %get3A_160 = tpu.vector_load %get3A_157[%get3A_158, %get3A_159] {strides = array<i32>} : memref<256x128xf32, #tpu.memory_space<vmem>>, vector<1x16xf32>,
        %get3A_161 = vector.shape_cast %get3A_160 : vector<1x16xf32> to vector<16xf32>
        %add3A_162 = arith.addf %get3A_151, %get3A_161 : vector<16xf32>
        %add3A_163 = arith.constant 2 : i32
        %add3A_164 = arith.addi %mul3A_144, %add3A_163 : i32
        %get3A_165 = arith.constant 0 : i32
        %get3A_166 = arith.constant 0 : i32
        %get3A_167 = tpu.memref_slice %arg6[%scan3A_129, %get3A_165, %get3A_166] : memref<2x256x128xf32, #tpu.memory_space<vmem>> -> memref<1x256x128xf32, #tpu.memory_space<vmem>>
        %get3A_168 = tpu.memref_squeeze %get3A_167 : memref<1x256x128xf32, #tpu.memory_space<vmem>> -> memref<256x128xf32, #tpu.memory_space<vmem>>
        %get3A_169 = arith.index_cast %add3A_164 : i32 to index
        %get3A_170 = arith.constant 0 : index
        %get3A_171 = tpu.vector_load %get3A_168[%get3A_169, %get3A_170] {strides = array<i32>} : memref<256x128xf32, #tpu.memory_space<vmem>>, vector<1x16xf32>,
        %get3A_172 = vector.shape_cast %get3A_171 : vector<1x16xf32> to vector<16xf32>
        %add3A_173 = arith.addf %add3A_162, %get3A_172 : vector<16xf32>
        %add3A_174 = arith.constant 3 : i32
        %add3A_175 = arith.addi %mul3A_144, %add3A_174 : i32
        %get3A_176 = arith.constant 0 : i32
        %get3A_177 = arith.constant 0 : i32
        %get3A_178 = tpu.memref_slice %arg6[%scan3A_129, %get3A_176, %get3A_177] : memref<2x256x128xf32, #tpu.memory_space<vmem>> -> memref<1x256x128xf32, #tpu.memory_space<vmem>>
        %get3A_179 = tpu.memref_squeeze %get3A_178 : memref<1x256x128xf32, #tpu.memory_space<vmem>> -> memref<256x128xf32, #tpu.memory_space<vmem>>
        %get3A_180 = arith.index_cast %add3A_175 : i32 to index
        %get3A_181 = arith.constant 0 : index
        %get3A_182 = tpu.vector_load %get3A_179[%get3A_180, %get3A_181] {strides = array<i32>} : memref<256x128xf32, #tpu.memory_space<vmem>>, vector<1x16xf32>,
        %get3A_183 = vector.shape_cast %get3A_182 : vector<1x16xf32> to vector<16xf32>
        %add3A_184 = arith.addf %add3A_173, %get3A_183 : vector<16xf32>
        %add3A_185 = arith.constant 4 : i32
        %add3A_186 = arith.addi %mul3A_144, %add3A_185 : i32
        %get3A_187 = arith.constant 0 : i32
        %get3A_188 = arith.constant 0 : i32
        %get3A_189 = tpu.memref_slice %arg6[%scan3A_129, %get3A_187, %get3A_188] : memref<2x256x128xf32, #tpu.memory_space<vmem>> -> memref<1x256x128xf32, #tpu.memory_space<vmem>>
        %get3A_190 = tpu.memref_squeeze %get3A_189 : memref<1x256x128xf32, #tpu.memory_space<vmem>> -> memref<256x128xf32, #tpu.memory_space<vmem>>
        %get3A_191 = arith.index_cast %add3A_186 : i32 to index
        %get3A_192 = arith.constant 0 : index
        %get3A_193 = tpu.vector_load %get3A_190[%get3A_191, %get3A_192] {strides = array<i32>} : memref<256x128xf32, #tpu.memory_space<vmem>>, vector<1x16xf32>,
        %get3A_194 = vector.shape_cast %get3A_193 : vector<1x16xf32> to vector<16xf32>
        %add3A_195 = arith.addf %add3A_184, %get3A_194 : vector<16xf32>
        %add3A_196 = arith.constant 5 : i32
        %add3A_197 = arith.addi %mul3A_144, %add3A_196 : i32
        %get3A_198 = arith.constant 0 : i32
        %get3A_199 = arith.constant 0 : i32
        %get3A_200 = tpu.memref_slice %arg6[%scan3A_129, %get3A_198, %get3A_199] : memref<2x256x128xf32, #tpu.memory_space<vmem>> -> memref<1x256x128xf32, #tpu.memory_space<vmem>>
        %get3A_201 = tpu.memref_squeeze %get3A_200 : memref<1x256x128xf32, #tpu.memory_space<vmem>> -> memref<256x128xf32, #tpu.memory_space<vmem>>
        %get3A_202 = arith.index_cast %add3A_197 : i32 to index
        %get3A_203 = arith.constant 0 : index
        %get3A_204 = tpu.vector_load %get3A_201[%get3A_202, %get3A_203] {strides = array<i32>} : memref<256x128xf32, #tpu.memory_space<vmem>>, vector<1x16xf32>,
        %get3A_205 = vector.shape_cast %get3A_204 : vector<1x16xf32> to vector<16xf32>
        %add3A_206 = arith.addf %add3A_195, %get3A_205 : vector<16xf32>
        %add3A_207 = arith.constant 6 : i32
        %add3A_208 = arith.addi %mul3A_144, %add3A_207 : i32
        %get3A_209 = arith.constant 0 : i32
        %get3A_210 = arith.constant 0 : i32
        %get3A_211 = tpu.memref_slice %arg6[%scan3A_129, %get3A_209, %get3A_210] : memref<2x256x128xf32, #tpu.memory_space<vmem>> -> memref<1x256x128xf32, #tpu.memory_space<vmem>>
        %get3A_212 = tpu.memref_squeeze %get3A_211 : memref<1x256x128xf32, #tpu.memory_space<vmem>> -> memref<256x128xf32, #tpu.memory_space<vmem>>
        %get3A_213 = arith.index_cast %add3A_208 : i32 to index
        %get3A_214 = arith.constant 0 : index
        %get3A_215 = tpu.vector_load %get3A_212[%get3A_213, %get3A_214] {strides = array<i32>} : memref<256x128xf32, #tpu.memory_space<vmem>>, vector<1x16xf32>,
        %get3A_216 = vector.shape_cast %get3A_215 : vector<1x16xf32> to vector<16xf32>
        %add3A_217 = arith.addf %add3A_206, %get3A_216 : vector<16xf32>
        %add3A_218 = arith.constant 7 : i32
        %add3A_219 = arith.addi %mul3A_144, %add3A_218 : i32
        %get3A_220 = arith.constant 0 : i32
        %get3A_221 = arith.constant 0 : i32
        %get3A_222 = tpu.memref_slice %arg6[%scan3A_129, %get3A_220, %get3A_221] : memref<2x256x128xf32, #tpu.memory_space<vmem>> -> memref<1x256x128xf32, #tpu.memory_space<vmem>>
        %get3A_223 = tpu.memref_squeeze %get3A_222 : memref<1x256x128xf32, #tpu.memory_space<vmem>> -> memref<256x128xf32, #tpu.memory_space<vmem>>
        %get3A_224 = arith.index_cast %add3A_219 : i32 to index
        %get3A_225 = arith.constant 0 : index
        %get3A_226 = tpu.vector_load %get3A_223[%get3A_224, %get3A_225] {strides = array<i32>} : memref<256x128xf32, #tpu.memory_space<vmem>>, vector<1x16xf32>,
        %get3A_227 = vector.shape_cast %get3A_226 : vector<1x16xf32> to vector<16xf32>
        %add3A_228 = arith.addf %add3A_217, %get3A_227 : vector<16xf32>
        %add3A_229 = arith.constant 8 : i32
        %add3A_230 = arith.addi %mul3A_144, %add3A_229 : i32
        %get3A_231 = arith.constant 0 : i32
        %get3A_232 = arith.constant 0 : i32
        %get3A_233 = tpu.memref_slice %arg6[%scan3A_129, %get3A_231, %get3A_232] : memref<2x256x128xf32, #tpu.memory_space<vmem>> -> memref<1x256x128xf32, #tpu.memory_space<vmem>>
        %get3A_234 = tpu.memref_squeeze %get3A_233 : memref<1x256x128xf32, #tpu.memory_space<vmem>> -> memref<256x128xf32, #tpu.memory_space<vmem>>
        %get3A_235 = arith.index_cast %add3A_230 : i32 to index
        %get3A_236 = arith.constant 0 : index
        %get3A_237 = tpu.vector_load %get3A_234[%get3A_235, %get3A_236] {strides = array<i32>} : memref<256x128xf32, #tpu.memory_space<vmem>>, vector<1x16xf32>,
        %get3A_238 = vector.shape_cast %get3A_237 : vector<1x16xf32> to vector<16xf32>
        %add3A_239 = arith.addf %add3A_228, %get3A_238 : vector<16xf32>
        %add3A_240 = arith.constant 9 : i32
        %add3A_241 = arith.addi %mul3A_144, %add3A_240 : i32
        %get3A_242 = arith.constant 0 : i32
        %get3A_243 = arith.constant 0 : i32
        %get3A_244 = tpu.memref_slice %arg6[%scan3A_129, %get3A_242, %get3A_243] : memref<2x256x128xf32, #tpu.memory_space<vmem>> -> memref<1x256x128xf32, #tpu.memory_space<vmem>>
        %get3A_245 = tpu.memref_squeeze %get3A_244 : memref<1x256x128xf32, #tpu.memory_space<vmem>> -> memref<256x128xf32, #tpu.memory_space<vmem>>
        %get3A_246 = arith.index_cast %add3A_241 : i32 to index
        %get3A_247 = arith.constant 0 : index
        %get3A_248 = tpu.vector_load %get3A_245[%get3A_246, %get3A_247] {strides = array<i32>} : memref<256x128xf32, #tpu.memory_space<vmem>>, vector<1x16xf32>,
        %get3A_249 = vector.shape_cast %get3A_248 : vector<1x16xf32> to vector<16xf32>
        %add3A_250 = arith.addf %add3A_239, %get3A_249 : vector<16xf32>
        %add3A_251 = arith.constant 10 : i32
        %add3A_252 = arith.addi %mul3A_144, %add3A_251 : i32
        %get3A_253 = arith.constant 0 : i32
        %get3A_254 = arith.constant 0 : i32
        %get3A_255 = tpu.memref_slice %arg6[%scan3A_129, %get3A_253, %get3A_254] : memref<2x256x128xf32, #tpu.memory_space<vmem>> -> memref<1x256x128xf32, #tpu.memory_space<vmem>>
        %get3A_256 = tpu.memref_squeeze %get3A_255 : memref<1x256x128xf32, #tpu.memory_space<vmem>> -> memref<256x128xf32, #tpu.memory_space<vmem>>
        %get3A_257 = arith.index_cast %add3A_252 : i32 to index
        %get3A_258 = arith.constant 0 : index
        %get3A_259 = tpu.vector_load %get3A_256[%get3A_257, %get3A_258] {strides = array<i32>} : memref<256x128xf32, #tpu.memory_space<vmem>>, vector<1x16xf32>,
        %get3A_260 = vector.shape_cast %get3A_259 : vector<1x16xf32> to vector<16xf32>
        %add3A_261 = arith.addf %add3A_250, %get3A_260 : vector<16xf32>
        %add3A_262 = arith.constant 11 : i32
        %add3A_263 = arith.addi %mul3A_144, %add3A_262 : i32
        %get3A_264 = arith.constant 0 : i32
        %get3A_265 = arith.constant 0 : i32
        %get3A_266 = tpu.memref_slice %arg6[%scan3A_129, %get3A_264, %get3A_265] : memref<2x256x128xf32, #tpu.memory_space<vmem>> -> memref<1x256x128xf32, #tpu.memory_space<vmem>>
        %get3A_267 = tpu.memref_squeeze %get3A_266 : memref<1x256x128xf32, #tpu.memory_space<vmem>> -> memref<256x128xf32, #tpu.memory_space<vmem>>
        %get3A_268 = arith.index_cast %add3A_263 : i32 to index
        %get3A_269 = arith.constant 0 : index
        %get3A_270 = tpu.vector_load %get3A_267[%get3A_268, %get3A_269] {strides = array<i32>} : memref<256x128xf32, #tpu.memory_space<vmem>>, vector<1x16xf32>,
        %get3A_271 = vector.shape_cast %get3A_270 : vector<1x16xf32> to vector<16xf32>
        %add3A_272 = arith.addf %add3A_261, %get3A_271 : vector<16xf32>
        %add3A_273 = arith.constant 12 : i32
        %add3A_274 = arith.addi %mul3A_144, %add3A_273 : i32
        %get3A_275 = arith.constant 0 : i32
        %get3A_276 = arith.constant 0 : i32
        %get3A_277 = tpu.memref_slice %arg6[%scan3A_129, %get3A_275, %get3A_276] : memref<2x256x128xf32, #tpu.memory_space<vmem>> -> memref<1x256x128xf32, #tpu.memory_space<vmem>>
        %get3A_278 = tpu.memref_squeeze %get3A_277 : memref<1x256x128xf32, #tpu.memory_space<vmem>> -> memref<256x128xf32, #tpu.memory_space<vmem>>
        %get3A_279 = arith.index_cast %add3A_274 : i32 to index
        %get3A_280 = arith.constant 0 : index
        %get3A_281 = tpu.vector_load %get3A_278[%get3A_279, %get3A_280] {strides = array<i32>} : memref<256x128xf32, #tpu.memory_space<vmem>>, vector<1x16xf32>,
        %get3A_282 = vector.shape_cast %get3A_281 : vector<1x16xf32> to vector<16xf32>
        %add3A_283 = arith.addf %add3A_272, %get3A_282 : vector<16xf32>
        %add3A_284 = arith.constant 13 : i32
        %add3A_285 = arith.addi %mul3A_144, %add3A_284 : i32
        %get3A_286 = arith.constant 0 : i32
        %get3A_287 = arith.constant 0 : i32
        %get3A_288 = tpu.memref_slice %arg6[%scan3A_129, %get3A_286, %get3A_287] : memref<2x256x128xf32, #tpu.memory_space<vmem>> -> memref<1x256x128xf32, #tpu.memory_space<vmem>>
        %get3A_289 = tpu.memref_squeeze %get3A_288 : memref<1x256x128xf32, #tpu.memory_space<vmem>> -> memref<256x128xf32, #tpu.memory_space<vmem>>
        %get3A_290 = arith.index_cast %add3A_285 : i32 to index
        %get3A_291 = arith.constant 0 : index
        %get3A_292 = tpu.vector_load %get3A_289[%get3A_290, %get3A_291] {strides = array<i32>} : memref<256x128xf32, #tpu.memory_space<vmem>>, vector<1x16xf32>,
        %get3A_293 = vector.shape_cast %get3A_292 : vector<1x16xf32> to vector<16xf32>
        %add3A_294 = arith.addf %add3A_283, %get3A_293 : vector<16xf32>
        %add3A_295 = arith.constant 14 : i32
        %add3A_296 = arith.addi %mul3A_144, %add3A_295 : i32
        %get3A_297 = arith.constant 0 : i32
        %get3A_298 = arith.constant 0 : i32
        %get3A_299 = tpu.memref_slice %arg6[%scan3A_129, %get3A_297, %get3A_298] : memref<2x256x128xf32, #tpu.memory_space<vmem>> -> memref<1x256x128xf32, #tpu.memory_space<vmem>>
        %get3A_300 = tpu.memref_squeeze %get3A_299 : memref<1x256x128xf32, #tpu.memory_space<vmem>> -> memref<256x128xf32, #tpu.memory_space<vmem>>
        %get3A_301 = arith.index_cast %add3A_296 : i32 to index
        %get3A_302 = arith.constant 0 : index
        %get3A_303 = tpu.vector_load %get3A_300[%get3A_301, %get3A_302] {strides = array<i32>} : memref<256x128xf32, #tpu.memory_space<vmem>>, vector<1x16xf32>,
        %get3A_304 = vector.shape_cast %get3A_303 : vector<1x16xf32> to vector<16xf32>
        %add3A_305 = arith.addf %add3A_294, %get3A_304 : vector<16xf32>
        %add3A_306 = arith.constant 15 : i32
        %add3A_307 = arith.addi %mul3A_144, %add3A_306 : i32
        %get3A_308 = arith.constant 0 : i32
        %get3A_309 = arith.constant 0 : i32
        %get3A_310 = tpu.memref_slice %arg6[%scan3A_129, %get3A_308, %get3A_309] : memref<2x256x128xf32, #tpu.memory_space<vmem>> -> memref<1x256x128xf32, #tpu.memory_space<vmem>>
        %get3A_311 = tpu.memref_squeeze %get3A_310 : memref<1x256x128xf32, #tpu.memory_space<vmem>> -> memref<256x128xf32, #tpu.memory_space<vmem>>
        %get3A_312 = arith.index_cast %add3A_307 : i32 to index
        %get3A_313 = arith.constant 0 : index
        %get3A_314 = tpu.vector_load %get3A_311[%get3A_312, %get3A_313] {strides = array<i32>} : memref<256x128xf32, #tpu.memory_space<vmem>>, vector<1x16xf32>,
        %get3A_315 = vector.shape_cast %get3A_314 : vector<1x16xf32> to vector<16xf32>
        %add3A_316 = arith.addf %add3A_305, %get3A_315 : vector<16xf32>
        %swap3A = arith.index_cast %scan3A_142 : i32 to index
        %swap3A_317 = arith.constant 0 : index
        %swap3A_318 = tpu.vector_load %arg7[%swap3A, %swap3A_317] {strides = array<i32>} : memref<16x64xf32, #tpu.memory_space<vmem>>, vector<1x16xf32>,
        %swap3A_319 = vector.shape_cast %swap3A_318 : vector<1x16xf32> to vector<16xf32>
        %swap3A_320 = vector.shape_cast %add3A_316 : vector<16xf32> to vector<1x16xf32>
        tpu.vector_store %arg7[%swap3A, %swap3A_317], %swap3A_320 {strides = array<i32>} : memref<16x64xf32, #tpu.memory_space<vmem>>, vector<1x16xf32>,
        %get3A_321 = arith.constant 0 : i32
        %get3A_322 = arith.constant 0 : i32
        %get3A_323 = tpu.memref_slice %arg6[%scan3A_129, %get3A_321, %get3A_322] : memref<2x256x128xf32, #tpu.memory_space<vmem>> -> memref<1x256x128xf32, #tpu.memory_space<vmem>>
        %get3A_324 = tpu.memref_squeeze %get3A_323 : memref<1x256x128xf32, #tpu.memory_space<vmem>> -> memref<256x128xf32, #tpu.memory_space<vmem>>
        %get3A_325 = arith.index_cast %mul3A_144 : i32 to index
        %get3A_326 = arith.constant 16 : index
        %get3A_327 = tpu.vector_load %get3A_324[%get3A_325, %get3A_326] {strides = array<i32>} : memref<256x128xf32, #tpu.memory_space<vmem>>, vector<1x16xf32>,
        %get3A_328 = vector.shape_cast %get3A_327 : vector<1x16xf32> to vector<16xf32>
        %add3A_329 = arith.constant 1 : i32
        %add3A_330 = arith.addi %mul3A_144, %add3A_329 : i32
        %get3A_331 = arith.constant 0 : i32
        %get3A_332 = arith.constant 0 : i32
        %get3A_333 = tpu.memref_slice %arg6[%scan3A_129, %get3A_331, %get3A_332] : memref<2x256x128xf32, #tpu.memory_space<vmem>> -> memref<1x256x128xf32, #tpu.memory_space<vmem>>
        %get3A_334 = tpu.memref_squeeze %get3A_333 : memref<1x256x128xf32, #tpu.memory_space<vmem>> -> memref<256x128xf32, #tpu.memory_space<vmem>>
        %get3A_335 = arith.index_cast %add3A_330 : i32 to index
        %get3A_336 = arith.constant 16 : index
        %get3A_337 = tpu.vector_load %get3A_334[%get3A_335, %get3A_336] {strides = array<i32>} : memref<256x128xf32, #tpu.memory_space<vmem>>, vector<1x16xf32>,
        %get3A_338 = vector.shape_cast %get3A_337 : vector<1x16xf32> to vector<16xf32>
        %add3A_339 = arith.addf %get3A_328, %get3A_338 : vector<16xf32>
        %add3A_340 = arith.constant 2 : i32
        %add3A_341 = arith.addi %mul3A_144, %add3A_340 : i32
        %get3A_342 = arith.constant 0 : i32
        %get3A_343 = arith.constant 0 : i32
        %get3A_344 = tpu.memref_slice %arg6[%scan3A_129, %get3A_342, %get3A_343] : memref<2x256x128xf32, #tpu.memory_space<vmem>> -> memref<1x256x128xf32, #tpu.memory_space<vmem>>
        %get3A_345 = tpu.memref_squeeze %get3A_344 : memref<1x256x128xf32, #tpu.memory_space<vmem>> -> memref<256x128xf32, #tpu.memory_space<vmem>>
        %get3A_346 = arith.index_cast %add3A_341 : i32 to index
        %get3A_347 = arith.constant 16 : index
        %get3A_348 = tpu.vector_load %get3A_345[%get3A_346, %get3A_347] {strides = array<i32>} : memref<256x128xf32, #tpu.memory_space<vmem>>, vector<1x16xf32>,
        %get3A_349 = vector.shape_cast %get3A_348 : vector<1x16xf32> to vector<16xf32>
        %add3A_350 = arith.addf %add3A_339, %get3A_349 : vector<16xf32>
        %add3A_351 = arith.constant 3 : i32
        %add3A_352 = arith.addi %mul3A_144, %add3A_351 : i32
        %get3A_353 = arith.constant 0 : i32
        %get3A_354 = arith.constant 0 : i32
        %get3A_355 = tpu.memref_slice %arg6[%scan3A_129, %get3A_353, %get3A_354] : memref<2x256x128xf32, #tpu.memory_space<vmem>> -> memref<1x256x128xf32, #tpu.memory_space<vmem>>
        %get3A_356 = tpu.memref_squeeze %get3A_355 : memref<1x256x128xf32, #tpu.memory_space<vmem>> -> memref<256x128xf32, #tpu.memory_space<vmem>>
        %get3A_357 = arith.index_cast %add3A_352 : i32 to index
        %get3A_358 = arith.constant 16 : index
        %get3A_359 = tpu.vector_load %get3A_356[%get3A_357, %get3A_358] {strides = array<i32>} : memref<256x128xf32, #tpu.memory_space<vmem>>, vector<1x16xf32>,
        %get3A_360 = vector.shape_cast %get3A_359 : vector<1x16xf32> to vector<16xf32>
        %add3A_361 = arith.addf %add3A_350, %get3A_360 : vector<16xf32>
        %add3A_362 = arith.constant 4 : i32
        %add3A_363 = arith.addi %mul3A_144, %add3A_362 : i32
        %get3A_364 = arith.constant 0 : i32
        %get3A_365 = arith.constant 0 : i32
        %get3A_366 = tpu.memref_slice %arg6[%scan3A_129, %get3A_364, %get3A_365] : memref<2x256x128xf32, #tpu.memory_space<vmem>> -> memref<1x256x128xf32, #tpu.memory_space<vmem>>
        %get3A_367 = tpu.memref_squeeze %get3A_366 : memref<1x256x128xf32, #tpu.memory_space<vmem>> -> memref<256x128xf32, #tpu.memory_space<vmem>>
        %get3A_368 = arith.index_cast %add3A_363 : i32 to index
        %get3A_369 = arith.constant 16 : index
        %get3A_370 = tpu.vector_load %get3A_367[%get3A_368, %get3A_369] {strides = array<i32>} : memref<256x128xf32, #tpu.memory_space<vmem>>, vector<1x16xf32>,
        %get3A_371 = vector.shape_cast %get3A_370 : vector<1x16xf32> to vector<16xf32>
        %add3A_372 = arith.addf %add3A_361, %get3A_371 : vector<16xf32>
        %add3A_373 = arith.constant 5 : i32
        %add3A_374 = arith.addi %mul3A_144, %add3A_373 : i32
        %get3A_375 = arith.constant 0 : i32
        %get3A_376 = arith.constant 0 : i32
        %get3A_377 = tpu.memref_slice %arg6[%scan3A_129, %get3A_375, %get3A_376] : memref<2x256x128xf32, #tpu.memory_space<vmem>> -> memref<1x256x128xf32, #tpu.memory_space<vmem>>
        %get3A_378 = tpu.memref_squeeze %get3A_377 : memref<1x256x128xf32, #tpu.memory_space<vmem>> -> memref<256x128xf32, #tpu.memory_space<vmem>>
        %get3A_379 = arith.index_cast %add3A_374 : i32 to index
        %get3A_380 = arith.constant 16 : index
        %get3A_381 = tpu.vector_load %get3A_378[%get3A_379, %get3A_380] {strides = array<i32>} : memref<256x128xf32, #tpu.memory_space<vmem>>, vector<1x16xf32>,
        %get3A_382 = vector.shape_cast %get3A_381 : vector<1x16xf32> to vector<16xf32>
        %add3A_383 = arith.addf %add3A_372, %get3A_382 : vector<16xf32>
        %add3A_384 = arith.constant 6 : i32
        %add3A_385 = arith.addi %mul3A_144, %add3A_384 : i32
        %get3A_386 = arith.constant 0 : i32
        %get3A_387 = arith.constant 0 : i32
        %get3A_388 = tpu.memref_slice %arg6[%scan3A_129, %get3A_386, %get3A_387] : memref<2x256x128xf32, #tpu.memory_space<vmem>> -> memref<1x256x128xf32, #tpu.memory_space<vmem>>
        %get3A_389 = tpu.memref_squeeze %get3A_388 : memref<1x256x128xf32, #tpu.memory_space<vmem>> -> memref<256x128xf32, #tpu.memory_space<vmem>>
        %get3A_390 = arith.index_cast %add3A_385 : i32 to index
        %get3A_391 = arith.constant 16 : index
        %get3A_392 = tpu.vector_load %get3A_389[%get3A_390, %get3A_391] {strides = array<i32>} : memref<256x128xf32, #tpu.memory_space<vmem>>, vector<1x16xf32>,
        %get3A_393 = vector.shape_cast %get3A_392 : vector<1x16xf32> to vector<16xf32>
        %add3A_394 = arith.addf %add3A_383, %get3A_393 : vector<16xf32>
        %add3A_395 = arith.constant 7 : i32
        %add3A_396 = arith.addi %mul3A_144, %add3A_395 : i32
        %get3A_397 = arith.constant 0 : i32
        %get3A_398 = arith.constant 0 : i32
        %get3A_399 = tpu.memref_slice %arg6[%scan3A_129, %get3A_397, %get3A_398] : memref<2x256x128xf32, #tpu.memory_space<vmem>> -> memref<1x256x128xf32, #tpu.memory_space<vmem>>
        %get3A_400 = tpu.memref_squeeze %get3A_399 : memref<1x256x128xf32, #tpu.memory_space<vmem>> -> memref<256x128xf32, #tpu.memory_space<vmem>>
        %get3A_401 = arith.index_cast %add3A_396 : i32 to index
        %get3A_402 = arith.constant 16 : index
        %get3A_403 = tpu.vector_load %get3A_400[%get3A_401, %get3A_402] {strides = array<i32>} : memref<256x128xf32, #tpu.memory_space<vmem>>, vector<1x16xf32>,
        %get3A_404 = vector.shape_cast %get3A_403 : vector<1x16xf32> to vector<16xf32>
        %add3A_405 = arith.addf %add3A_394, %get3A_404 : vector<16xf32>
        %add3A_406 = arith.constant 8 : i32
        %add3A_407 = arith.addi %mul3A_144, %add3A_406 : i32
        %get3A_408 = arith.constant 0 : i32
        %get3A_409 = arith.constant 0 : i32
        %get3A_410 = tpu.memref_slice %arg6[%scan3A_129, %get3A_408, %get3A_409] : memref<2x256x128xf32, #tpu.memory_space<vmem>> -> memref<1x256x128xf32, #tpu.memory_space<vmem>>
        %get3A_411 = tpu.memref_squeeze %get3A_410 : memref<1x256x128xf32, #tpu.memory_space<vmem>> -> memref<256x128xf32, #tpu.memory_space<vmem>>
        %get3A_412 = arith.index_cast %add3A_407 : i32 to index
        %get3A_413 = arith.constant 16 : index
        %get3A_414 = tpu.vector_load %get3A_411[%get3A_412, %get3A_413] {strides = array<i32>} : memref<256x128xf32, #tpu.memory_space<vmem>>, vector<1x16xf32>,
        %get3A_415 = vector.shape_cast %get3A_414 : vector<1x16xf32> to vector<16xf32>
        %add3A_416 = arith.addf %add3A_405, %get3A_415 : vector<16xf32>
        %add3A_417 = arith.constant 9 : i32
        %add3A_418 = arith.addi %mul3A_144, %add3A_417 : i32
        %get3A_419 = arith.constant 0 : i32
        %get3A_420 = arith.constant 0 : i32
        %get3A_421 = tpu.memref_slice %arg6[%scan3A_129, %get3A_419, %get3A_420] : memref<2x256x128xf32, #tpu.memory_space<vmem>> -> memref<1x256x128xf32, #tpu.memory_space<vmem>>
        %get3A_422 = tpu.memref_squeeze %get3A_421 : memref<1x256x128xf32, #tpu.memory_space<vmem>> -> memref<256x128xf32, #tpu.memory_space<vmem>>
        %get3A_423 = arith.index_cast %add3A_418 : i32 to index
        %get3A_424 = arith.constant 16 : index
        %get3A_425 = tpu.vector_load %get3A_422[%get3A_423, %get3A_424] {strides = array<i32>} : memref<256x128xf32, #tpu.memory_space<vmem>>, vector<1x16xf32>,
        %get3A_426 = vector.shape_cast %get3A_425 : vector<1x16xf32> to vector<16xf32>
        %add3A_427 = arith.addf %add3A_416, %get3A_426 : vector<16xf32>
        %add3A_428 = arith.constant 10 : i32
        %add3A_429 = arith.addi %mul3A_144, %add3A_428 : i32
        %get3A_430 = arith.constant 0 : i32
        %get3A_431 = arith.constant 0 : i32
        %get3A_432 = tpu.memref_slice %arg6[%scan3A_129, %get3A_430, %get3A_431] : memref<2x256x128xf32, #tpu.memory_space<vmem>> -> memref<1x256x128xf32, #tpu.memory_space<vmem>>
        %get3A_433 = tpu.memref_squeeze %get3A_432 : memref<1x256x128xf32, #tpu.memory_space<vmem>> -> memref<256x128xf32, #tpu.memory_space<vmem>>
        %get3A_434 = arith.index_cast %add3A_429 : i32 to index
        %get3A_435 = arith.constant 16 : index
        %get3A_436 = tpu.vector_load %get3A_433[%get3A_434, %get3A_435] {strides = array<i32>} : memref<256x128xf32, #tpu.memory_space<vmem>>, vector<1x16xf32>,
        %get3A_437 = vector.shape_cast %get3A_436 : vector<1x16xf32> to vector<16xf32>
        %add3A_438 = arith.addf %add3A_427, %get3A_437 : vector<16xf32>
        %add3A_439 = arith.constant 11 : i32
        %add3A_440 = arith.addi %mul3A_144, %add3A_439 : i32
        %get3A_441 = arith.constant 0 : i32
        %get3A_442 = arith.constant 0 : i32
        %get3A_443 = tpu.memref_slice %arg6[%scan3A_129, %get3A_441, %get3A_442] : memref<2x256x128xf32, #tpu.memory_space<vmem>> -> memref<1x256x128xf32, #tpu.memory_space<vmem>>
        %get3A_444 = tpu.memref_squeeze %get3A_443 : memref<1x256x128xf32, #tpu.memory_space<vmem>> -> memref<256x128xf32, #tpu.memory_space<vmem>>
        %get3A_445 = arith.index_cast %add3A_440 : i32 to index
        %get3A_446 = arith.constant 16 : index
        %get3A_447 = tpu.vector_load %get3A_444[%get3A_445, %get3A_446] {strides = array<i32>} : memref<256x128xf32, #tpu.memory_space<vmem>>, vector<1x16xf32>,
        %get3A_448 = vector.shape_cast %get3A_447 : vector<1x16xf32> to vector<16xf32>
        %add3A_449 = arith.addf %add3A_438, %get3A_448 : vector<16xf32>
        %add3A_450 = arith.constant 12 : i32
        %add3A_451 = arith.addi %mul3A_144, %add3A_450 : i32
        %get3A_452 = arith.constant 0 : i32
        %get3A_453 = arith.constant 0 : i32
        %get3A_454 = tpu.memref_slice %arg6[%scan3A_129, %get3A_452, %get3A_453] : memref<2x256x128xf32, #tpu.memory_space<vmem>> -> memref<1x256x128xf32, #tpu.memory_space<vmem>>
        %get3A_455 = tpu.memref_squeeze %get3A_454 : memref<1x256x128xf32, #tpu.memory_space<vmem>> -> memref<256x128xf32, #tpu.memory_space<vmem>>
        %get3A_456 = arith.index_cast %add3A_451 : i32 to index
        %get3A_457 = arith.constant 16 : index
        %get3A_458 = tpu.vector_load %get3A_455[%get3A_456, %get3A_457] {strides = array<i32>} : memref<256x128xf32, #tpu.memory_space<vmem>>, vector<1x16xf32>,
        %get3A_459 = vector.shape_cast %get3A_458 : vector<1x16xf32> to vector<16xf32>
        %add3A_460 = arith.addf %add3A_449, %get3A_459 : vector<16xf32>
        %add3A_461 = arith.constant 13 : i32
        %add3A_462 = arith.addi %mul3A_144, %add3A_461 : i32
        %get3A_463 = arith.constant 0 : i32
        %get3A_464 = arith.constant 0 : i32
        %get3A_465 = tpu.memref_slice %arg6[%scan3A_129, %get3A_463, %get3A_464] : memref<2x256x128xf32, #tpu.memory_space<vmem>> -> memref<1x256x128xf32, #tpu.memory_space<vmem>>
        %get3A_466 = tpu.memref_squeeze %get3A_465 : memref<1x256x128xf32, #tpu.memory_space<vmem>> -> memref<256x128xf32, #tpu.memory_space<vmem>>
        %get3A_467 = arith.index_cast %add3A_462 : i32 to index
        %get3A_468 = arith.constant 16 : index
        %get3A_469 = tpu.vector_load %get3A_466[%get3A_467, %get3A_468] {strides = array<i32>} : memref<256x128xf32, #tpu.memory_space<vmem>>, vector<1x16xf32>,
        %get3A_470 = vector.shape_cast %get3A_469 : vector<1x16xf32> to vector<16xf32>
        %add3A_471 = arith.addf %add3A_460, %get3A_470 : vector<16xf32>
        %add3A_472 = arith.constant 14 : i32
        %add3A_473 = arith.addi %mul3A_144, %add3A_472 : i32
        %get3A_474 = arith.constant 0 : i32
        %get3A_475 = arith.constant 0 : i32
        %get3A_476 = tpu.memref_slice %arg6[%scan3A_129, %get3A_474, %get3A_475] : memref<2x256x128xf32, #tpu.memory_space<vmem>> -> memref<1x256x128xf32, #tpu.memory_space<vmem>>
        %get3A_477 = tpu.memref_squeeze %get3A_476 : memref<1x256x128xf32, #tpu.memory_space<vmem>> -> memref<256x128xf32, #tpu.memory_space<vmem>>
        %get3A_478 = arith.index_cast %add3A_473 : i32 to index
        %get3A_479 = arith.constant 16 : index
        %get3A_480 = tpu.vector_load %get3A_477[%get3A_478, %get3A_479] {strides = array<i32>} : memref<256x128xf32, #tpu.memory_space<vmem>>, vector<1x16xf32>,
        %get3A_481 = vector.shape_cast %get3A_480 : vector<1x16xf32> to vector<16xf32>
        %add3A_482 = arith.addf %add3A_471, %get3A_481 : vector<16xf32>
        %add3A_483 = arith.constant 15 : i32
        %add3A_484 = arith.addi %mul3A_144, %add3A_483 : i32
        %get3A_485 = arith.constant 0 : i32
        %get3A_486 = arith.constant 0 : i32
        %get3A_487 = tpu.memref_slice %arg6[%scan3A_129, %get3A_485, %get3A_486] : memref<2x256x128xf32, #tpu.memory_space<vmem>> -> memref<1x256x128xf32, #tpu.memory_space<vmem>>
        %get3A_488 = tpu.memref_squeeze %get3A_487 : memref<1x256x128xf32, #tpu.memory_space<vmem>> -> memref<256x128xf32, #tpu.memory_space<vmem>>
        %get3A_489 = arith.index_cast %add3A_484 : i32 to index
        %get3A_490 = arith.constant 16 : index
        %get3A_491 = tpu.vector_load %get3A_488[%get3A_489, %get3A_490] {strides = array<i32>} : memref<256x128xf32, #tpu.memory_space<vmem>>, vector<1x16xf32>,
        %get3A_492 = vector.shape_cast %get3A_491 : vector<1x16xf32> to vector<16xf32>
        %add3A_493 = arith.addf %add3A_482, %get3A_492 : vector<16xf32>
        %swap3A_494 = arith.index_cast %scan3A_142 : i32 to index
        %swap3A_495 = arith.constant 16 : index
        %swap3A_496 = tpu.vector_load %arg7[%swap3A_494, %swap3A_495] {strides = array<i32>} : memref<16x64xf32, #tpu.memory_space<vmem>>, vector<1x16xf32>,
        %swap3A_497 = vector.shape_cast %swap3A_496 : vector<1x16xf32> to vector<16xf32>
        %swap3A_498 = vector.shape_cast %add3A_493 : vector<16xf32> to vector<1x16xf32>
        tpu.vector_store %arg7[%swap3A_494, %swap3A_495], %swap3A_498 {strides = array<i32>} : memref<16x64xf32, #tpu.memory_space<vmem>>, vector<1x16xf32>,
        %get3A_499 = arith.constant 0 : i32
        %get3A_500 = arith.constant 0 : i32
        %get3A_501 = tpu.memref_slice %arg6[%scan3A_129, %get3A_499, %get3A_500] : memref<2x256x128xf32, #tpu.memory_space<vmem>> -> memref<1x256x128xf32, #tpu.memory_space<vmem>>
        %get3A_502 = tpu.memref_squeeze %get3A_501 : memref<1x256x128xf32, #tpu.memory_space<vmem>> -> memref<256x128xf32, #tpu.memory_space<vmem>>
        %get3A_503 = arith.index_cast %mul3A_144 : i32 to index
        %get3A_504 = arith.constant 32 : index
        %get3A_505 = tpu.vector_load %get3A_502[%get3A_503, %get3A_504] {strides = array<i32>} : memref<256x128xf32, #tpu.memory_space<vmem>>, vector<1x16xf32>,
        %get3A_506 = vector.shape_cast %get3A_505 : vector<1x16xf32> to vector<16xf32>
        %add3A_507 = arith.constant 1 : i32
        %add3A_508 = arith.addi %mul3A_144, %add3A_507 : i32
        %get3A_509 = arith.constant 0 : i32
        %get3A_510 = arith.constant 0 : i32
        %get3A_511 = tpu.memref_slice %arg6[%scan3A_129, %get3A_509, %get3A_510] : memref<2x256x128xf32, #tpu.memory_space<vmem>> -> memref<1x256x128xf32, #tpu.memory_space<vmem>>
        %get3A_512 = tpu.memref_squeeze %get3A_511 : memref<1x256x128xf32, #tpu.memory_space<vmem>> -> memref<256x128xf32, #tpu.memory_space<vmem>>
        %get3A_513 = arith.index_cast %add3A_508 : i32 to index
        %get3A_514 = arith.constant 32 : index
        %get3A_515 = tpu.vector_load %get3A_512[%get3A_513, %get3A_514] {strides = array<i32>} : memref<256x128xf32, #tpu.memory_space<vmem>>, vector<1x16xf32>,
        %get3A_516 = vector.shape_cast %get3A_515 : vector<1x16xf32> to vector<16xf32>
        %add3A_517 = arith.addf %get3A_506, %get3A_516 : vector<16xf32>
        %add3A_518 = arith.constant 2 : i32
        %add3A_519 = arith.addi %mul3A_144, %add3A_518 : i32
        %get3A_520 = arith.constant 0 : i32
        %get3A_521 = arith.constant 0 : i32
        %get3A_522 = tpu.memref_slice %arg6[%scan3A_129, %get3A_520, %get3A_521] : memref<2x256x128xf32, #tpu.memory_space<vmem>> -> memref<1x256x128xf32, #tpu.memory_space<vmem>>
        %get3A_523 = tpu.memref_squeeze %get3A_522 : memref<1x256x128xf32, #tpu.memory_space<vmem>> -> memref<256x128xf32, #tpu.memory_space<vmem>>
        %get3A_524 = arith.index_cast %add3A_519 : i32 to index
        %get3A_525 = arith.constant 32 : index
        %get3A_526 = tpu.vector_load %get3A_523[%get3A_524, %get3A_525] {strides = array<i32>} : memref<256x128xf32, #tpu.memory_space<vmem>>, vector<1x16xf32>,
        %get3A_527 = vector.shape_cast %get3A_526 : vector<1x16xf32> to vector<16xf32>
        %add3A_528 = arith.addf %add3A_517, %get3A_527 : vector<16xf32>
        %add3A_529 = arith.constant 3 : i32
        %add3A_530 = arith.addi %mul3A_144, %add3A_529 : i32
        %get3A_531 = arith.constant 0 : i32
        %get3A_532 = arith.constant 0 : i32
        %get3A_533 = tpu.memref_slice %arg6[%scan3A_129, %get3A_531, %get3A_532] : memref<2x256x128xf32, #tpu.memory_space<vmem>> -> memref<1x256x128xf32, #tpu.memory_space<vmem>>
        %get3A_534 = tpu.memref_squeeze %get3A_533 : memref<1x256x128xf32, #tpu.memory_space<vmem>> -> memref<256x128xf32, #tpu.memory_space<vmem>>
        %get3A_535 = arith.index_cast %add3A_530 : i32 to index
        %get3A_536 = arith.constant 32 : index
        %get3A_537 = tpu.vector_load %get3A_534[%get3A_535, %get3A_536] {strides = array<i32>} : memref<256x128xf32, #tpu.memory_space<vmem>>, vector<1x16xf32>,
        %get3A_538 = vector.shape_cast %get3A_537 : vector<1x16xf32> to vector<16xf32>
        %add3A_539 = arith.addf %add3A_528, %get3A_538 : vector<16xf32>
        %add3A_540 = arith.constant 4 : i32
        %add3A_541 = arith.addi %mul3A_144, %add3A_540 : i32
        %get3A_542 = arith.constant 0 : i32
        %get3A_543 = arith.constant 0 : i32
        %get3A_544 = tpu.memref_slice %arg6[%scan3A_129, %get3A_542, %get3A_543] : memref<2x256x128xf32, #tpu.memory_space<vmem>> -> memref<1x256x128xf32, #tpu.memory_space<vmem>>
        %get3A_545 = tpu.memref_squeeze %get3A_544 : memref<1x256x128xf32, #tpu.memory_space<vmem>> -> memref<256x128xf32, #tpu.memory_space<vmem>>
        %get3A_546 = arith.index_cast %add3A_541 : i32 to index
        %get3A_547 = arith.constant 32 : index
        %get3A_548 = tpu.vector_load %get3A_545[%get3A_546, %get3A_547] {strides = array<i32>} : memref<256x128xf32, #tpu.memory_space<vmem>>, vector<1x16xf32>,
        %get3A_549 = vector.shape_cast %get3A_548 : vector<1x16xf32> to vector<16xf32>
        %add3A_550 = arith.addf %add3A_539, %get3A_549 : vector<16xf32>
        %add3A_551 = arith.constant 5 : i32
        %add3A_552 = arith.addi %mul3A_144, %add3A_551 : i32
        %get3A_553 = arith.constant 0 : i32
        %get3A_554 = arith.constant 0 : i32
        %get3A_555 = tpu.memref_slice %arg6[%scan3A_129, %get3A_553, %get3A_554] : memref<2x256x128xf32, #tpu.memory_space<vmem>> -> memref<1x256x128xf32, #tpu.memory_space<vmem>>
        %get3A_556 = tpu.memref_squeeze %get3A_555 : memref<1x256x128xf32, #tpu.memory_space<vmem>> -> memref<256x128xf32, #tpu.memory_space<vmem>>
        %get3A_557 = arith.index_cast %add3A_552 : i32 to index
        %get3A_558 = arith.constant 32 : index
        %get3A_559 = tpu.vector_load %get3A_556[%get3A_557, %get3A_558] {strides = array<i32>} : memref<256x128xf32, #tpu.memory_space<vmem>>, vector<1x16xf32>,
        %get3A_560 = vector.shape_cast %get3A_559 : vector<1x16xf32> to vector<16xf32>
        %add3A_561 = arith.addf %add3A_550, %get3A_560 : vector<16xf32>
        %add3A_562 = arith.constant 6 : i32
        %add3A_563 = arith.addi %mul3A_144, %add3A_562 : i32
        %get3A_564 = arith.constant 0 : i32
        %get3A_565 = arith.constant 0 : i32
        %get3A_566 = tpu.memref_slice %arg6[%scan3A_129, %get3A_564, %get3A_565] : memref<2x256x128xf32, #tpu.memory_space<vmem>> -> memref<1x256x128xf32, #tpu.memory_space<vmem>>
        %get3A_567 = tpu.memref_squeeze %get3A_566 : memref<1x256x128xf32, #tpu.memory_space<vmem>> -> memref<256x128xf32, #tpu.memory_space<vmem>>
        %get3A_568 = arith.index_cast %add3A_563 : i32 to index
        %get3A_569 = arith.constant 32 : index
        %get3A_570 = tpu.vector_load %get3A_567[%get3A_568, %get3A_569] {strides = array<i32>} : memref<256x128xf32, #tpu.memory_space<vmem>>, vector<1x16xf32>,
        %get3A_571 = vector.shape_cast %get3A_570 : vector<1x16xf32> to vector<16xf32>
        %add3A_572 = arith.addf %add3A_561, %get3A_571 : vector<16xf32>
        %add3A_573 = arith.constant 7 : i32
        %add3A_574 = arith.addi %mul3A_144, %add3A_573 : i32
        %get3A_575 = arith.constant 0 : i32
        %get3A_576 = arith.constant 0 : i32
        %get3A_577 = tpu.memref_slice %arg6[%scan3A_129, %get3A_575, %get3A_576] : memref<2x256x128xf32, #tpu.memory_space<vmem>> -> memref<1x256x128xf32, #tpu.memory_space<vmem>>
        %get3A_578 = tpu.memref_squeeze %get3A_577 : memref<1x256x128xf32, #tpu.memory_space<vmem>> -> memref<256x128xf32, #tpu.memory_space<vmem>>
        %get3A_579 = arith.index_cast %add3A_574 : i32 to index
        %get3A_580 = arith.constant 32 : index
        %get3A_581 = tpu.vector_load %get3A_578[%get3A_579, %get3A_580] {strides = array<i32>} : memref<256x128xf32, #tpu.memory_space<vmem>>, vector<1x16xf32>,
        %get3A_582 = vector.shape_cast %get3A_581 : vector<1x16xf32> to vector<16xf32>
        %add3A_583 = arith.addf %add3A_572, %get3A_582 : vector<16xf32>
        %add3A_584 = arith.constant 8 : i32
        %add3A_585 = arith.addi %mul3A_144, %add3A_584 : i32
        %get3A_586 = arith.constant 0 : i32
        %get3A_587 = arith.constant 0 : i32
        %get3A_588 = tpu.memref_slice %arg6[%scan3A_129, %get3A_586, %get3A_587] : memref<2x256x128xf32, #tpu.memory_space<vmem>> -> memref<1x256x128xf32, #tpu.memory_space<vmem>>
        %get3A_589 = tpu.memref_squeeze %get3A_588 : memref<1x256x128xf32, #tpu.memory_space<vmem>> -> memref<256x128xf32, #tpu.memory_space<vmem>>
        %get3A_590 = arith.index_cast %add3A_585 : i32 to index
        %get3A_591 = arith.constant 32 : index
        %get3A_592 = tpu.vector_load %get3A_589[%get3A_590, %get3A_591] {strides = array<i32>} : memref<256x128xf32, #tpu.memory_space<vmem>>, vector<1x16xf32>,
        %get3A_593 = vector.shape_cast %get3A_592 : vector<1x16xf32> to vector<16xf32>
        %add3A_594 = arith.addf %add3A_583, %get3A_593 : vector<16xf32>
        %add3A_595 = arith.constant 9 : i32
        %add3A_596 = arith.addi %mul3A_144, %add3A_595 : i32
        %get3A_597 = arith.constant 0 : i32
        %get3A_598 = arith.constant 0 : i32
        %get3A_599 = tpu.memref_slice %arg6[%scan3A_129, %get3A_597, %get3A_598] : memref<2x256x128xf32, #tpu.memory_space<vmem>> -> memref<1x256x128xf32, #tpu.memory_space<vmem>>
        %get3A_600 = tpu.memref_squeeze %get3A_599 : memref<1x256x128xf32, #tpu.memory_space<vmem>> -> memref<256x128xf32, #tpu.memory_space<vmem>>
        %get3A_601 = arith.index_cast %add3A_596 : i32 to index
        %get3A_602 = arith.constant 32 : index
        %get3A_603 = tpu.vector_load %get3A_600[%get3A_601, %get3A_602] {strides = array<i32>} : memref<256x128xf32, #tpu.memory_space<vmem>>, vector<1x16xf32>,
        %get3A_604 = vector.shape_cast %get3A_603 : vector<1x16xf32> to vector<16xf32>
        %add3A_605 = arith.addf %add3A_594, %get3A_604 : vector<16xf32>
        %add3A_606 = arith.constant 10 : i32
        %add3A_607 = arith.addi %mul3A_144, %add3A_606 : i32
        %get3A_608 = arith.constant 0 : i32
        %get3A_609 = arith.constant 0 : i32
        %get3A_610 = tpu.memref_slice %arg6[%scan3A_129, %get3A_608, %get3A_609] : memref<2x256x128xf32, #tpu.memory_space<vmem>> -> memref<1x256x128xf32, #tpu.memory_space<vmem>>
        %get3A_611 = tpu.memref_squeeze %get3A_610 : memref<1x256x128xf32, #tpu.memory_space<vmem>> -> memref<256x128xf32, #tpu.memory_space<vmem>>
        %get3A_612 = arith.index_cast %add3A_607 : i32 to index
        %get3A_613 = arith.constant 32 : index
        %get3A_614 = tpu.vector_load %get3A_611[%get3A_612, %get3A_613] {strides = array<i32>} : memref<256x128xf32, #tpu.memory_space<vmem>>, vector<1x16xf32>,
        %get3A_615 = vector.shape_cast %get3A_614 : vector<1x16xf32> to vector<16xf32>
        %add3A_616 = arith.addf %add3A_605, %get3A_615 : vector<16xf32>
        %add3A_617 = arith.constant 11 : i32
        %add3A_618 = arith.addi %mul3A_144, %add3A_617 : i32
        %get3A_619 = arith.constant 0 : i32
        %get3A_620 = arith.constant 0 : i32
        %get3A_621 = tpu.memref_slice %arg6[%scan3A_129, %get3A_619, %get3A_620] : memref<2x256x128xf32, #tpu.memory_space<vmem>> -> memref<1x256x128xf32, #tpu.memory_space<vmem>>
        %get3A_622 = tpu.memref_squeeze %get3A_621 : memref<1x256x128xf32, #tpu.memory_space<vmem>> -> memref<256x128xf32, #tpu.memory_space<vmem>>
        %get3A_623 = arith.index_cast %add3A_618 : i32 to index
        %get3A_624 = arith.constant 32 : index
        %get3A_625 = tpu.vector_load %get3A_622[%get3A_623, %get3A_624] {strides = array<i32>} : memref<256x128xf32, #tpu.memory_space<vmem>>, vector<1x16xf32>,
        %get3A_626 = vector.shape_cast %get3A_625 : vector<1x16xf32> to vector<16xf32>
        %add3A_627 = arith.addf %add3A_616, %get3A_626 : vector<16xf32>
        %add3A_628 = arith.constant 12 : i32
        %add3A_629 = arith.addi %mul3A_144, %add3A_628 : i32
        %get3A_630 = arith.constant 0 : i32
        %get3A_631 = arith.constant 0 : i32
        %get3A_632 = tpu.memref_slice %arg6[%scan3A_129, %get3A_630, %get3A_631] : memref<2x256x128xf32, #tpu.memory_space<vmem>> -> memref<1x256x128xf32, #tpu.memory_space<vmem>>
        %get3A_633 = tpu.memref_squeeze %get3A_632 : memref<1x256x128xf32, #tpu.memory_space<vmem>> -> memref<256x128xf32, #tpu.memory_space<vmem>>
        %get3A_634 = arith.index_cast %add3A_629 : i32 to index
        %get3A_635 = arith.constant 32 : index
        %get3A_636 = tpu.vector_load %get3A_633[%get3A_634, %get3A_635] {strides = array<i32>} : memref<256x128xf32, #tpu.memory_space<vmem>>, vector<1x16xf32>,
        %get3A_637 = vector.shape_cast %get3A_636 : vector<1x16xf32> to vector<16xf32>
        %add3A_638 = arith.addf %add3A_627, %get3A_637 : vector<16xf32>
        %add3A_639 = arith.constant 13 : i32
        %add3A_640 = arith.addi %mul3A_144, %add3A_639 : i32
        %get3A_641 = arith.constant 0 : i32
        %get3A_642 = arith.constant 0 : i32
        %get3A_643 = tpu.memref_slice %arg6[%scan3A_129, %get3A_641, %get3A_642] : memref<2x256x128xf32, #tpu.memory_space<vmem>> -> memref<1x256x128xf32, #tpu.memory_space<vmem>>
        %get3A_644 = tpu.memref_squeeze %get3A_643 : memref<1x256x128xf32, #tpu.memory_space<vmem>> -> memref<256x128xf32, #tpu.memory_space<vmem>>
        %get3A_645 = arith.index_cast %add3A_640 : i32 to index
        %get3A_646 = arith.constant 32 : index
        %get3A_647 = tpu.vector_load %get3A_644[%get3A_645, %get3A_646] {strides = array<i32>} : memref<256x128xf32, #tpu.memory_space<vmem>>, vector<1x16xf32>,
        %get3A_648 = vector.shape_cast %get3A_647 : vector<1x16xf32> to vector<16xf32>
        %add3A_649 = arith.addf %add3A_638, %get3A_648 : vector<16xf32>
        %add3A_650 = arith.constant 14 : i32
        %add3A_651 = arith.addi %mul3A_144, %add3A_650 : i32
        %get3A_652 = arith.constant 0 : i32
        %get3A_653 = arith.constant 0 : i32
        %get3A_654 = tpu.memref_slice %arg6[%scan3A_129, %get3A_652, %get3A_653] : memref<2x256x128xf32, #tpu.memory_space<vmem>> -> memref<1x256x128xf32, #tpu.memory_space<vmem>>
        %get3A_655 = tpu.memref_squeeze %get3A_654 : memref<1x256x128xf32, #tpu.memory_space<vmem>> -> memref<256x128xf32, #tpu.memory_space<vmem>>
        %get3A_656 = arith.index_cast %add3A_651 : i32 to index
        %get3A_657 = arith.constant 32 : index
        %get3A_658 = tpu.vector_load %get3A_655[%get3A_656, %get3A_657] {strides = array<i32>} : memref<256x128xf32, #tpu.memory_space<vmem>>, vector<1x16xf32>,
        %get3A_659 = vector.shape_cast %get3A_658 : vector<1x16xf32> to vector<16xf32>
        %add3A_660 = arith.addf %add3A_649, %get3A_659 : vector<16xf32>
        %add3A_661 = arith.constant 15 : i32
        %add3A_662 = arith.addi %mul3A_144, %add3A_661 : i32
        %get3A_663 = arith.constant 0 : i32
        %get3A_664 = arith.constant 0 : i32
        %get3A_665 = tpu.memref_slice %arg6[%scan3A_129, %get3A_663, %get3A_664] : memref<2x256x128xf32, #tpu.memory_space<vmem>> -> memref<1x256x128xf32, #tpu.memory_space<vmem>>
        %get3A_666 = tpu.memref_squeeze %get3A_665 : memref<1x256x128xf32, #tpu.memory_space<vmem>> -> memref<256x128xf32, #tpu.memory_space<vmem>>
        %get3A_667 = arith.index_cast %add3A_662 : i32 to index
        %get3A_668 = arith.constant 32 : index
        %get3A_669 = tpu.vector_load %get3A_666[%get3A_667, %get3A_668] {strides = array<i32>} : memref<256x128xf32, #tpu.memory_space<vmem>>, vector<1x16xf32>,
        %get3A_670 = vector.shape_cast %get3A_669 : vector<1x16xf32> to vector<16xf32>
        %add3A_671 = arith.addf %add3A_660, %get3A_670 : vector<16xf32>
        %swap3A_672 = arith.index_cast %scan3A_142 : i32 to index
        %swap3A_673 = arith.constant 32 : index
        %swap3A_674 = tpu.vector_load %arg7[%swap3A_672, %swap3A_673] {strides = array<i32>} : memref<16x64xf32, #tpu.memory_space<vmem>>, vector<1x16xf32>,
        %swap3A_675 = vector.shape_cast %swap3A_674 : vector<1x16xf32> to vector<16xf32>
        %swap3A_676 = vector.shape_cast %add3A_671 : vector<16xf32> to vector<1x16xf32>
        tpu.vector_store %arg7[%swap3A_672, %swap3A_673], %swap3A_676 {strides = array<i32>} : memref<16x64xf32, #tpu.memory_space<vmem>>, vector<1x16xf32>,
        %get3A_677 = arith.constant 0 : i32
        %get3A_678 = arith.constant 0 : i32
        %get3A_679 = tpu.memref_slice %arg6[%scan3A_129, %get3A_677, %get3A_678] : memref<2x256x128xf32, #tpu.memory_space<vmem>> -> memref<1x256x128xf32, #tpu.memory_space<vmem>>
        %get3A_680 = tpu.memref_squeeze %get3A_679 : memref<1x256x128xf32, #tpu.memory_space<vmem>> -> memref<256x128xf32, #tpu.memory_space<vmem>>
        %get3A_681 = arith.index_cast %mul3A_144 : i32 to index
        %get3A_682 = arith.constant 48 : index
        %get3A_683 = tpu.vector_load %get3A_680[%get3A_681, %get3A_682] {strides = array<i32>} : memref<256x128xf32, #tpu.memory_space<vmem>>, vector<1x16xf32>,
        %get3A_684 = vector.shape_cast %get3A_683 : vector<1x16xf32> to vector<16xf32>
        %add3A_685 = arith.constant 1 : i32
        %add3A_686 = arith.addi %mul3A_144, %add3A_685 : i32
        %get3A_687 = arith.constant 0 : i32
        %get3A_688 = arith.constant 0 : i32
        %get3A_689 = tpu.memref_slice %arg6[%scan3A_129, %get3A_687, %get3A_688] : memref<2x256x128xf32, #tpu.memory_space<vmem>> -> memref<1x256x128xf32, #tpu.memory_space<vmem>>
        %get3A_690 = tpu.memref_squeeze %get3A_689 : memref<1x256x128xf32, #tpu.memory_space<vmem>> -> memref<256x128xf32, #tpu.memory_space<vmem>>
        %get3A_691 = arith.index_cast %add3A_686 : i32 to index
        %get3A_692 = arith.constant 48 : index
        %get3A_693 = tpu.vector_load %get3A_690[%get3A_691, %get3A_692] {strides = array<i32>} : memref<256x128xf32, #tpu.memory_space<vmem>>, vector<1x16xf32>,
        %get3A_694 = vector.shape_cast %get3A_693 : vector<1x16xf32> to vector<16xf32>
        %add3A_695 = arith.addf %get3A_684, %get3A_694 : vector<16xf32>
        %add3A_696 = arith.constant 2 : i32
        %add3A_697 = arith.addi %mul3A_144, %add3A_696 : i32
        %get3A_698 = arith.constant 0 : i32
        %get3A_699 = arith.constant 0 : i32
        %get3A_700 = tpu.memref_slice %arg6[%scan3A_129, %get3A_698, %get3A_699] : memref<2x256x128xf32, #tpu.memory_space<vmem>> -> memref<1x256x128xf32, #tpu.memory_space<vmem>>
        %get3A_701 = tpu.memref_squeeze %get3A_700 : memref<1x256x128xf32, #tpu.memory_space<vmem>> -> memref<256x128xf32, #tpu.memory_space<vmem>>
        %get3A_702 = arith.index_cast %add3A_697 : i32 to index
        %get3A_703 = arith.constant 48 : index
        %get3A_704 = tpu.vector_load %get3A_701[%get3A_702, %get3A_703] {strides = array<i32>} : memref<256x128xf32, #tpu.memory_space<vmem>>, vector<1x16xf32>,
        %get3A_705 = vector.shape_cast %get3A_704 : vector<1x16xf32> to vector<16xf32>
        %add3A_706 = arith.addf %add3A_695, %get3A_705 : vector<16xf32>
        %add3A_707 = arith.constant 3 : i32
        %add3A_708 = arith.addi %mul3A_144, %add3A_707 : i32
        %get3A_709 = arith.constant 0 : i32
        %get3A_710 = arith.constant 0 : i32
        %get3A_711 = tpu.memref_slice %arg6[%scan3A_129, %get3A_709, %get3A_710] : memref<2x256x128xf32, #tpu.memory_space<vmem>> -> memref<1x256x128xf32, #tpu.memory_space<vmem>>
        %get3A_712 = tpu.memref_squeeze %get3A_711 : memref<1x256x128xf32, #tpu.memory_space<vmem>> -> memref<256x128xf32, #tpu.memory_space<vmem>>
        %get3A_713 = arith.index_cast %add3A_708 : i32 to index
        %get3A_714 = arith.constant 48 : index
        %get3A_715 = tpu.vector_load %get3A_712[%get3A_713, %get3A_714] {strides = array<i32>} : memref<256x128xf32, #tpu.memory_space<vmem>>, vector<1x16xf32>,
        %get3A_716 = vector.shape_cast %get3A_715 : vector<1x16xf32> to vector<16xf32>
        %add3A_717 = arith.addf %add3A_706, %get3A_716 : vector<16xf32>
        %add3A_718 = arith.constant 4 : i32
        %add3A_719 = arith.addi %mul3A_144, %add3A_718 : i32
        %get3A_720 = arith.constant 0 : i32
        %get3A_721 = arith.constant 0 : i32
        %get3A_722 = tpu.memref_slice %arg6[%scan3A_129, %get3A_720, %get3A_721] : memref<2x256x128xf32, #tpu.memory_space<vmem>> -> memref<1x256x128xf32, #tpu.memory_space<vmem>>
        %get3A_723 = tpu.memref_squeeze %get3A_722 : memref<1x256x128xf32, #tpu.memory_space<vmem>> -> memref<256x128xf32, #tpu.memory_space<vmem>>
        %get3A_724 = arith.index_cast %add3A_719 : i32 to index
        %get3A_725 = arith.constant 48 : index
        %get3A_726 = tpu.vector_load %get3A_723[%get3A_724, %get3A_725] {strides = array<i32>} : memref<256x128xf32, #tpu.memory_space<vmem>>, vector<1x16xf32>,
        %get3A_727 = vector.shape_cast %get3A_726 : vector<1x16xf32> to vector<16xf32>
        %add3A_728 = arith.addf %add3A_717, %get3A_727 : vector<16xf32>
        %add3A_729 = arith.constant 5 : i32
        %add3A_730 = arith.addi %mul3A_144, %add3A_729 : i32
        %get3A_731 = arith.constant 0 : i32
        %get3A_732 = arith.constant 0 : i32
        %get3A_733 = tpu.memref_slice %arg6[%scan3A_129, %get3A_731, %get3A_732] : memref<2x256x128xf32, #tpu.memory_space<vmem>> -> memref<1x256x128xf32, #tpu.memory_space<vmem>>
        %get3A_734 = tpu.memref_squeeze %get3A_733 : memref<1x256x128xf32, #tpu.memory_space<vmem>> -> memref<256x128xf32, #tpu.memory_space<vmem>>
        %get3A_735 = arith.index_cast %add3A_730 : i32 to index
        %get3A_736 = arith.constant 48 : index
        %get3A_737 = tpu.vector_load %get3A_734[%get3A_735, %get3A_736] {strides = array<i32>} : memref<256x128xf32, #tpu.memory_space<vmem>>, vector<1x16xf32>,
        %get3A_738 = vector.shape_cast %get3A_737 : vector<1x16xf32> to vector<16xf32>
        %add3A_739 = arith.addf %add3A_728, %get3A_738 : vector<16xf32>
        %add3A_740 = arith.constant 6 : i32
        %add3A_741 = arith.addi %mul3A_144, %add3A_740 : i32
        %get3A_742 = arith.constant 0 : i32
        %get3A_743 = arith.constant 0 : i32
        %get3A_744 = tpu.memref_slice %arg6[%scan3A_129, %get3A_742, %get3A_743] : memref<2x256x128xf32, #tpu.memory_space<vmem>> -> memref<1x256x128xf32, #tpu.memory_space<vmem>>
        %get3A_745 = tpu.memref_squeeze %get3A_744 : memref<1x256x128xf32, #tpu.memory_space<vmem>> -> memref<256x128xf32, #tpu.memory_space<vmem>>
        %get3A_746 = arith.index_cast %add3A_741 : i32 to index
        %get3A_747 = arith.constant 48 : index
        %get3A_748 = tpu.vector_load %get3A_745[%get3A_746, %get3A_747] {strides = array<i32>} : memref<256x128xf32, #tpu.memory_space<vmem>>, vector<1x16xf32>,
        %get3A_749 = vector.shape_cast %get3A_748 : vector<1x16xf32> to vector<16xf32>
        %add3A_750 = arith.addf %add3A_739, %get3A_749 : vector<16xf32>
        %add3A_751 = arith.constant 7 : i32
        %add3A_752 = arith.addi %mul3A_144, %add3A_751 : i32
        %get3A_753 = arith.constant 0 : i32
        %get3A_754 = arith.constant 0 : i32
        %get3A_755 = tpu.memref_slice %arg6[%scan3A_129, %get3A_753, %get3A_754] : memref<2x256x128xf32, #tpu.memory_space<vmem>> -> memref<1x256x128xf32, #tpu.memory_space<vmem>>
        %get3A_756 = tpu.memref_squeeze %get3A_755 : memref<1x256x128xf32, #tpu.memory_space<vmem>> -> memref<256x128xf32, #tpu.memory_space<vmem>>
        %get3A_757 = arith.index_cast %add3A_752 : i32 to index
        %get3A_758 = arith.constant 48 : index
        %get3A_759 = tpu.vector_load %get3A_756[%get3A_757, %get3A_758] {strides = array<i32>} : memref<256x128xf32, #tpu.memory_space<vmem>>, vector<1x16xf32>,
        %get3A_760 = vector.shape_cast %get3A_759 : vector<1x16xf32> to vector<16xf32>
        %add3A_761 = arith.addf %add3A_750, %get3A_760 : vector<16xf32>
        %add3A_762 = arith.constant 8 : i32
        %add3A_763 = arith.addi %mul3A_144, %add3A_762 : i32
        %get3A_764 = arith.constant 0 : i32
        %get3A_765 = arith.constant 0 : i32
        %get3A_766 = tpu.memref_slice %arg6[%scan3A_129, %get3A_764, %get3A_765] : memref<2x256x128xf32, #tpu.memory_space<vmem>> -> memref<1x256x128xf32, #tpu.memory_space<vmem>>
        %get3A_767 = tpu.memref_squeeze %get3A_766 : memref<1x256x128xf32, #tpu.memory_space<vmem>> -> memref<256x128xf32, #tpu.memory_space<vmem>>
        %get3A_768 = arith.index_cast %add3A_763 : i32 to index
        %get3A_769 = arith.constant 48 : index
        %get3A_770 = tpu.vector_load %get3A_767[%get3A_768, %get3A_769] {strides = array<i32>} : memref<256x128xf32, #tpu.memory_space<vmem>>, vector<1x16xf32>,
        %get3A_771 = vector.shape_cast %get3A_770 : vector<1x16xf32> to vector<16xf32>
        %add3A_772 = arith.addf %add3A_761, %get3A_771 : vector<16xf32>
        %add3A_773 = arith.constant 9 : i32
        %add3A_774 = arith.addi %mul3A_144, %add3A_773 : i32
        %get3A_775 = arith.constant 0 : i32
        %get3A_776 = arith.constant 0 : i32
        %get3A_777 = tpu.memref_slice %arg6[%scan3A_129, %get3A_775, %get3A_776] : memref<2x256x128xf32, #tpu.memory_space<vmem>> -> memref<1x256x128xf32, #tpu.memory_space<vmem>>
        %get3A_778 = tpu.memref_squeeze %get3A_777 : memref<1x256x128xf32, #tpu.memory_space<vmem>> -> memref<256x128xf32, #tpu.memory_space<vmem>>
        %get3A_779 = arith.index_cast %add3A_774 : i32 to index
        %get3A_780 = arith.constant 48 : index
        %get3A_781 = tpu.vector_load %get3A_778[%get3A_779, %get3A_780] {strides = array<i32>} : memref<256x128xf32, #tpu.memory_space<vmem>>, vector<1x16xf32>,
        %get3A_782 = vector.shape_cast %get3A_781 : vector<1x16xf32> to vector<16xf32>
        %add3A_783 = arith.addf %add3A_772, %get3A_782 : vector<16xf32>
        %add3A_784 = arith.constant 10 : i32
        %add3A_785 = arith.addi %mul3A_144, %add3A_784 : i32
        %get3A_786 = arith.constant 0 : i32
        %get3A_787 = arith.constant 0 : i32
        %get3A_788 = tpu.memref_slice %arg6[%scan3A_129, %get3A_786, %get3A_787] : memref<2x256x128xf32, #tpu.memory_space<vmem>> -> memref<1x256x128xf32, #tpu.memory_space<vmem>>
        %get3A_789 = tpu.memref_squeeze %get3A_788 : memref<1x256x128xf32, #tpu.memory_space<vmem>> -> memref<256x128xf32, #tpu.memory_space<vmem>>
        %get3A_790 = arith.index_cast %add3A_785 : i32 to index
        %get3A_791 = arith.constant 48 : index
        %get3A_792 = tpu.vector_load %get3A_789[%get3A_790, %get3A_791] {strides = array<i32>} : memref<256x128xf32, #tpu.memory_space<vmem>>, vector<1x16xf32>,
        %get3A_793 = vector.shape_cast %get3A_792 : vector<1x16xf32> to vector<16xf32>
        %add3A_794 = arith.addf %add3A_783, %get3A_793 : vector<16xf32>
        %add3A_795 = arith.constant 11 : i32
        %add3A_796 = arith.addi %mul3A_144, %add3A_795 : i32
        %get3A_797 = arith.constant 0 : i32
        %get3A_798 = arith.constant 0 : i32
        %get3A_799 = tpu.memref_slice %arg6[%scan3A_129, %get3A_797, %get3A_798] : memref<2x256x128xf32, #tpu.memory_space<vmem>> -> memref<1x256x128xf32, #tpu.memory_space<vmem>>
        %get3A_800 = tpu.memref_squeeze %get3A_799 : memref<1x256x128xf32, #tpu.memory_space<vmem>> -> memref<256x128xf32, #tpu.memory_space<vmem>>
        %get3A_801 = arith.index_cast %add3A_796 : i32 to index
        %get3A_802 = arith.constant 48 : index
        %get3A_803 = tpu.vector_load %get3A_800[%get3A_801, %get3A_802] {strides = array<i32>} : memref<256x128xf32, #tpu.memory_space<vmem>>, vector<1x16xf32>,
        %get3A_804 = vector.shape_cast %get3A_803 : vector<1x16xf32> to vector<16xf32>
        %add3A_805 = arith.addf %add3A_794, %get3A_804 : vector<16xf32>
        %add3A_806 = arith.constant 12 : i32
        %add3A_807 = arith.addi %mul3A_144, %add3A_806 : i32
        %get3A_808 = arith.constant 0 : i32
        %get3A_809 = arith.constant 0 : i32
        %get3A_810 = tpu.memref_slice %arg6[%scan3A_129, %get3A_808, %get3A_809] : memref<2x256x128xf32, #tpu.memory_space<vmem>> -> memref<1x256x128xf32, #tpu.memory_space<vmem>>
        %get3A_811 = tpu.memref_squeeze %get3A_810 : memref<1x256x128xf32, #tpu.memory_space<vmem>> -> memref<256x128xf32, #tpu.memory_space<vmem>>
        %get3A_812 = arith.index_cast %add3A_807 : i32 to index
        %get3A_813 = arith.constant 48 : index
        %get3A_814 = tpu.vector_load %get3A_811[%get3A_812, %get3A_813] {strides = array<i32>} : memref<256x128xf32, #tpu.memory_space<vmem>>, vector<1x16xf32>,
        %get3A_815 = vector.shape_cast %get3A_814 : vector<1x16xf32> to vector<16xf32>
        %add3A_816 = arith.addf %add3A_805, %get3A_815 : vector<16xf32>
        %add3A_817 = arith.constant 13 : i32
        %add3A_818 = arith.addi %mul3A_144, %add3A_817 : i32
        %get3A_819 = arith.constant 0 : i32
        %get3A_820 = arith.constant 0 : i32
        %get3A_821 = tpu.memref_slice %arg6[%scan3A_129, %get3A_819, %get3A_820] : memref<2x256x128xf32, #tpu.memory_space<vmem>> -> memref<1x256x128xf32, #tpu.memory_space<vmem>>
        %get3A_822 = tpu.memref_squeeze %get3A_821 : memref<1x256x128xf32, #tpu.memory_space<vmem>> -> memref<256x128xf32, #tpu.memory_space<vmem>>
        %get3A_823 = arith.index_cast %add3A_818 : i32 to index
        %get3A_824 = arith.constant 48 : index
        %get3A_825 = tpu.vector_load %get3A_822[%get3A_823, %get3A_824] {strides = array<i32>} : memref<256x128xf32, #tpu.memory_space<vmem>>, vector<1x16xf32>,
        %get3A_826 = vector.shape_cast %get3A_825 : vector<1x16xf32> to vector<16xf32>
        %add3A_827 = arith.addf %add3A_816, %get3A_826 : vector<16xf32>
        %add3A_828 = arith.constant 14 : i32
        %add3A_829 = arith.addi %mul3A_144, %add3A_828 : i32
        %get3A_830 = arith.constant 0 : i32
        %get3A_831 = arith.constant 0 : i32
        %get3A_832 = tpu.memref_slice %arg6[%scan3A_129, %get3A_830, %get3A_831] : memref<2x256x128xf32, #tpu.memory_space<vmem>> -> memref<1x256x128xf32, #tpu.memory_space<vmem>>
        %get3A_833 = tpu.memref_squeeze %get3A_832 : memref<1x256x128xf32, #tpu.memory_space<vmem>> -> memref<256x128xf32, #tpu.memory_space<vmem>>
        %get3A_834 = arith.index_cast %add3A_829 : i32 to index
        %get3A_835 = arith.constant 48 : index
        %get3A_836 = tpu.vector_load %get3A_833[%get3A_834, %get3A_835] {strides = array<i32>} : memref<256x128xf32, #tpu.memory_space<vmem>>, vector<1x16xf32>,
        %get3A_837 = vector.shape_cast %get3A_836 : vector<1x16xf32> to vector<16xf32>
        %add3A_838 = arith.addf %add3A_827, %get3A_837 : vector<16xf32>
        %add3A_839 = arith.constant 15 : i32
        %add3A_840 = arith.addi %mul3A_144, %add3A_839 : i32
        %get3A_841 = arith.constant 0 : i32
        %get3A_842 = arith.constant 0 : i32
        %get3A_843 = tpu.memref_slice %arg6[%scan3A_129, %get3A_841, %get3A_842] : memref<2x256x128xf32, #tpu.memory_space<vmem>> -> memref<1x256x128xf32, #tpu.memory_space<vmem>>
        %get3A_844 = tpu.memref_squeeze %get3A_843 : memref<1x256x128xf32, #tpu.memory_space<vmem>> -> memref<256x128xf32, #tpu.memory_space<vmem>>
        %get3A_845 = arith.index_cast %add3A_840 : i32 to index
        %get3A_846 = arith.constant 48 : index
        %get3A_847 = tpu.vector_load %get3A_844[%get3A_845, %get3A_846] {strides = array<i32>} : memref<256x128xf32, #tpu.memory_space<vmem>>, vector<1x16xf32>,
        %get3A_848 = vector.shape_cast %get3A_847 : vector<1x16xf32> to vector<16xf32>
        %add3A_849 = arith.addf %add3A_838, %get3A_848 : vector<16xf32>
        %swap3A_850 = arith.index_cast %scan3A_142 : i32 to index
        %swap3A_851 = arith.constant 48 : index
        %swap3A_852 = tpu.vector_load %arg7[%swap3A_850, %swap3A_851] {strides = array<i32>} : memref<16x64xf32, #tpu.memory_space<vmem>>, vector<1x16xf32>,
        %swap3A_853 = vector.shape_cast %swap3A_852 : vector<1x16xf32> to vector<16xf32>
        %swap3A_854 = vector.shape_cast %add3A_849 : vector<16xf32> to vector<1x16xf32>
        tpu.vector_store %arg7[%swap3A_850, %swap3A_851], %swap3A_854 {strides = array<i32>} : memref<16x64xf32, #tpu.memory_space<vmem>>, vector<1x16xf32>,
      }
      %scan3A_134 = arith.constant 16 : i32
      %mul3A_135 = arith.constant 16 : i32
      %mul3A_136 = arith.muli %add3A_127, %mul3A_135 : i32
      "tpu.region"() ({
        %run_scoped3A = tpu.sem_alloc : memref<!tpu.dma_semaphore, #tpu.memory_space<semaphore_mem>>
        %dma_start3A_142 = arith.constant 0 : i32
        %dma_start3A_143 = tpu.memref_slice %arg4[%mul3A_136, %dma_start3A_142] : memref<51200x64xf32, #tpu.memory_space<hbm>> -> memref<16x64xf32, #tpu.memory_space<hbm>>
        %dma_start3A_144 = arith.constant 0 : i32
        %dma_start3A_145 = tpu.memref_slice %arg4[%mul3A_136, %dma_start3A_144] : memref<51200x64xf32, #tpu.memory_space<hbm>> -> memref<16x64xf32, #tpu.memory_space<hbm>>
        tpu.enqueue_dma source(%arg7 : memref<16x64xf32, #tpu.memory_space<vmem>>) target(%dma_start3A_145 : memref<16x64xf32, #tpu.memory_space<hbm>>) target_semaphore(%run_scoped3A : memref<!tpu.dma_semaphore, #tpu.memory_space<semaphore_mem>>)
        %dma_wait3A_146 = arith.constant 0 : i32
        %dma_wait3A_147 = tpu.memref_slice %arg4[%mul3A_136, %dma_wait3A_146] : memref<51200x64xf32, #tpu.memory_space<hbm>> -> memref<16x64xf32, #tpu.memory_space<hbm>>
        %dma_wait3A_148 = arith.constant 0 : i32
        %dma_wait3A_149 = tpu.memref_slice %arg4[%mul3A_136, %dma_wait3A_148] : memref<51200x64xf32, #tpu.memory_space<hbm>> -> memref<16x64xf32, #tpu.memory_space<hbm>>
        tpu.wait_dma2 semaphore(%run_scoped3A : memref<!tpu.dma_semaphore, #tpu.memory_space<semaphore_mem>>) src(%arg7 : memref<16x64xf32, #tpu.memory_space<vmem>>) dst(%dma_wait3A_149 : memref<16x64xf32, #tpu.memory_space<hbm>>)
        tpu.yield
      }) : () -> ()
      %lt3A_137 = arith.constant 49 : i32
      %lt3A_138 = arith.cmpi slt, %scan3A_59, %lt3A_137 : i32
      %convert_element_type3A_139 = arith.extui %lt3A_138 : i1 to i32
      %cond3A_140 = arith.constant 0 : i32
      %cond3A_141 = arith.cmpi ne, %convert_element_type3A_139, %cond3A_140 : i32
      scf.if %cond3A_141 {
        %add3A_142 = arith.constant 2 : i32
        %add3A_143 = arith.addi %add3A_102, %add3A_142 : i32
        %dma_start3A_144 = arith.constant 0 : i32
        %dma_start3A_145 = arith.constant 1 : i32
        %dma_start3A_146 = arith.constant 0 : i32
        %dma_start3A_147 = arith.constant 0 : i32
        %dma_start3A_148 = tpu.memref_slice %arg6[%dma_start3A_145, %dma_start3A_146, %dma_start3A_147] : memref<2x256x128xf32, #tpu.memory_space<vmem>> -> memref<1x128x128xf32, #tpu.memory_space<vmem>>
        %dma_start3A_149 = tpu.memref_squeeze %dma_start3A_148 : memref<1x128x128xf32, #tpu.memory_space<vmem>> -> memref<128x128xf32, #tpu.memory_space<vmem>>
        %dma_start3A_150 = arith.constant 0 : i32
        %dma_start3A_151 = tpu.memref_slice %arg5[%add3A_143, %dma_start3A_144, %dma_start3A_150] : memref<100x2x128xi32, #tpu.memory_space<vmem>> -> memref<1x1x128xi32, #tpu.memory_space<vmem>>
        %dma_start3A_152 = tpu.memref_squeeze %dma_start3A_151 : memref<1x1x128xi32, #tpu.memory_space<vmem>> -> memref<128xi32, #tpu.memory_space<vmem>>
        %dma_start3A_153 = arith.constant 0 : i32
        %dma_start3A_154 = arith.constant 0 : i32
        %dma_start3A_155 = tpu.memref_slice %arg3[%dma_start3A_153, %dma_start3A_154] : memref<1000000x128xf32, #tpu.memory_space<hbm>> -> memref<1000000x128xf32, #tpu.memory_space<hbm>>
        tpu.enqueue_indirect_dma source(%dma_start3A_155 : memref<1000000x128xf32, #tpu.memory_space<hbm>>) target(%dma_start3A_149 : memref<128x128xf32, #tpu.memory_space<vmem>>) offsets(%dma_start3A_152 : memref<128xi32, #tpu.memory_space<vmem>>) semaphore(%arg9 : memref<!tpu.dma_semaphore, #tpu.memory_space<semaphore_mem>>)
        %dma_start3A_156 = arith.constant 1 : i32
        %dma_start3A_157 = arith.constant 1 : i32
        %dma_start3A_158 = arith.constant 128 : i32
        %dma_start3A_159 = arith.constant 0 : i32
        %dma_start3A_160 = tpu.memref_slice %arg6[%dma_start3A_157, %dma_start3A_158, %dma_start3A_159] : memref<2x256x128xf32, #tpu.memory_space<vmem>> -> memref<1x128x128xf32, #tpu.memory_space<vmem>>
        %dma_start3A_161 = tpu.memref_squeeze %dma_start3A_160 : memref<1x128x128xf32, #tpu.memory_space<vmem>> -> memref<128x128xf32, #tpu.memory_space<vmem>>
        %dma_start3A_162 = arith.constant 0 : i32
        %dma_start3A_163 = tpu.memref_slice %arg5[%add3A_143, %dma_start3A_156, %dma_start3A_162] : memref<100x2x128xi32, #tpu.memory_space<vmem>> -> memref<1x1x128xi32, #tpu.memory_space<vmem>>
        %dma_start3A_164 = tpu.memref_squeeze %dma_start3A_163 : memref<1x1x128xi32, #tpu.memory_space<vmem>> -> memref<128xi32, #tpu.memory_space<vmem>>
        %dma_start3A_165 = arith.constant 0 : i32
        %dma_start3A_166 = arith.constant 0 : i32
        %dma_start3A_167 = tpu.memref_slice %arg3[%dma_start3A_165, %dma_start3A_166] : memref<1000000x128xf32, #tpu.memory_space<hbm>> -> memref<1000000x128xf32, #tpu.memory_space<hbm>>
        tpu.enqueue_indirect_dma source(%dma_start3A_167 : memref<1000000x128xf32, #tpu.memory_space<hbm>>) target(%dma_start3A_161 : memref<128x128xf32, #tpu.memory_space<vmem>>) offsets(%dma_start3A_164 : memref<128xi32, #tpu.memory_space<vmem>>) semaphore(%arg9 : memref<!tpu.dma_semaphore, #tpu.memory_space<semaphore_mem>>)
      } else {
      }
    }
    %scan3A_58 = arith.constant 50 : i32
    return
  }
}

module attributes {stable_mosaic.version = 14 : i64} {
  func.func @_tc_pre_body(%arg0: i32, %arg1: memref<512x1xi32, #tpu.memory_space<vmem>>, %arg2: memref<512x1xi32, #tpu.memory_space<vmem>>, %arg3: memref<1024x32xf32, #tpu.memory_space<vmem>>, %arg4: memref<128x128xf32, #tpu.memory_space<vmem>>, %arg5: memref<32x128xf32, #tpu.memory_space<vmem>>, %arg6: memref<1x128xf32, #tpu.memory_space<vmem>>, %arg7: memref<512x128xf32, #tpu.memory_space<vmem>>) attributes {dimension_semantics = [#tpu.dimension_semantics<arbitrary>], iteration_bounds = array<i64: 100>, scalar_prefetch = 0 : i64, scratch_operands = 0 : i64, tpu.core_type = #tpu.core_type<tc>, window_params = [{transform_indices = @transform_0, window_bounds = array<i64: 512, 1>}, {transform_indices = @transform_1, window_bounds = array<i64: 512, 1>}, {pipeline_mode = #tpu.pipeline_mode<synchronous>, transform_indices = @transform_2, window_bounds = array<i64: 1024, 32>}, {pipeline_mode = #tpu.pipeline_mode<synchronous>, transform_indices = @transform_3, window_bounds = array<i64: 128, 128>}, {pipeline_mode = #tpu.pipeline_mode<synchronous>, transform_indices = @transform_4, window_bounds = array<i64: 32, 128>}, {pipeline_mode = #tpu.pipeline_mode<synchronous>, transform_indices = @transform_5, window_bounds = array<i64: 1, 128>}, {transform_indices = @transform_6, window_bounds = array<i64: 512, 128>}]} {
    %get3A = arith.constant 0 : index
    %get3A_0 = arith.constant 0 : index
    %get3A_1 = vector.load %arg1[%get3A, %get3A_0] : memref<512x1xi32, #tpu.memory_space<vmem>>, vector<512x1xi32>
    %get3A_2 = arith.constant 0 : index
    %get3A_3 = arith.constant 0 : index
    %get3A_4 = vector.load %arg2[%get3A_2, %get3A_3] : memref<512x1xi32, #tpu.memory_space<vmem>>, vector<512x1xi32>
    %iota3A = tpu.iota {dimensions = array<i32: 1>} : vector<512x1024xi32>
    %eq3A = vector.broadcast %get3A_1 : vector<512x1xi32> to vector<512x1024xi32>
    %eq3A_5 = arith.cmpi eq, %iota3A, %eq3A : vector<512x1024xi32>
    %convert_element_type3A = arith.extui %eq3A_5 : vector<512x1024xi1> to vector<512x1024xi32>
    %convert_element_type3A_6 = arith.sitofp %convert_element_type3A : vector<512x1024xi32> to vector<512x1024xf32>
    %iota3A_7 = tpu.iota {dimensions = array<i32: 1>} : vector<512x128xi32>
    %eq3A_8 = vector.broadcast %get3A_4 : vector<512x1xi32> to vector<512x128xi32>
    %eq3A_9 = arith.cmpi eq, %iota3A_7, %eq3A_8 : vector<512x128xi32>
    %convert_element_type3A_10 = arith.extui %eq3A_9 : vector<512x128xi1> to vector<512x128xi32>
    %convert_element_type3A_11 = arith.sitofp %convert_element_type3A_10 : vector<512x128xi32> to vector<512x128xf32>
    %get3A_12 = arith.constant 0 : index
    %get3A_13 = arith.constant 0 : index
    %get3A_14 = vector.load %arg3[%get3A_12, %get3A_13] : memref<1024x32xf32, #tpu.memory_space<vmem>>, vector<1024x32xf32>
    %dot_general3A = arith.constant dense<0.000000e+00> : vector<512x32xf32>
    %dot_general3A_15 = tpu.matmul %convert_element_type3A_6, %get3A_14, %dot_general3A {dimension_numbers = #tpu.dot_dimension_numbers<[1], [0], [0], [1], [0, 0, 1, 1], [], []>, transpose_lhs_hint = false} : vector<512x1024xf32>, vector<1024x32xf32>, vector<512x32xf32> -> vector<512x32xf32>
    %get3A_16 = arith.constant 0 : index
    %get3A_17 = arith.constant 0 : index
    %get3A_18 = vector.load %arg4[%get3A_16, %get3A_17] : memref<128x128xf32, #tpu.memory_space<vmem>>, vector<128x128xf32>
    %dot_general3A_19 = arith.constant dense<0.000000e+00> : vector<512x128xf32>
    %dot_general3A_20 = tpu.matmul %convert_element_type3A_11, %get3A_18, %dot_general3A_19 {dimension_numbers = #tpu.dot_dimension_numbers<[1], [0], [0], [1], [0, 0, 1, 1], [], []>, transpose_lhs_hint = false} : vector<512x128xf32>, vector<128x128xf32>, vector<512x128xf32> -> vector<512x128xf32>
    %get3A_21 = arith.constant 0 : index
    %get3A_22 = arith.constant 0 : index
    %get3A_23 = vector.load %arg5[%get3A_21, %get3A_22] : memref<32x128xf32, #tpu.memory_space<vmem>>, vector<32x128xf32>
    %dot_general3A_24 = arith.constant dense<0.000000e+00> : vector<512x128xf32>
    %dot_general3A_25 = tpu.matmul %dot_general3A_15, %get3A_23, %dot_general3A_24 {dimension_numbers = #tpu.dot_dimension_numbers<[1], [0], [0], [1], [0, 0, 1, 1], [], []>, transpose_lhs_hint = false} : vector<512x32xf32>, vector<32x128xf32>, vector<512x128xf32> -> vector<512x128xf32>
    %get3A_26 = arith.constant 0 : index
    %get3A_27 = arith.constant 0 : index
    %get3A_28 = vector.load %arg6[%get3A_26, %get3A_27] : memref<1x128xf32, #tpu.memory_space<vmem>>, vector<1x128xf32>
    %add3A = vector.broadcast %get3A_28 : vector<1x128xf32> to vector<512x128xf32>
    %add3A_29 = arith.addf %dot_general3A_25, %add3A : vector<512x128xf32>
    %add3A_30 = arith.addf %add3A_29, %dot_general3A_20 : vector<512x128xf32>
    %swap3A = arith.constant 0 : index
    %swap3A_31 = arith.constant 0 : index
    %swap3A_32 = vector.load %arg7[%swap3A, %swap3A_31] : memref<512x128xf32, #tpu.memory_space<vmem>>, vector<512x128xf32>
    tpu.vector_store %arg7[%swap3A, %swap3A_31], %add3A_30 {strides = array<i32>} : memref<512x128xf32, #tpu.memory_space<vmem>>, vector<512x128xf32>,
    return
  }
  func.func @transform_0(%arg0: i32) -> (i32, i32) {
    %c0_i32 = arith.constant 0 : i32
    %c0_i32_0 = arith.constant 0 : i32
    return %arg0, %c0_i32 : i32, i32
  }
  func.func @transform_1(%arg0: i32) -> (i32, i32) {
    %c0_i32 = arith.constant 0 : i32
    %c0_i32_0 = arith.constant 0 : i32
    return %arg0, %c0_i32 : i32, i32
  }
  func.func @transform_2(%arg0: i32) -> (i32, i32) {
    %c0_i32 = arith.constant 0 : i32
    %c0_i32_0 = arith.constant 0 : i32
    %c0_i32_1 = arith.constant 0 : i32
    return %c0_i32, %c0_i32_0 : i32, i32
  }
  func.func @transform_3(%arg0: i32) -> (i32, i32) {
    %c0_i32 = arith.constant 0 : i32
    %c0_i32_0 = arith.constant 0 : i32
    %c0_i32_1 = arith.constant 0 : i32
    return %c0_i32, %c0_i32_0 : i32, i32
  }
  func.func @transform_4(%arg0: i32) -> (i32, i32) {
    %c0_i32 = arith.constant 0 : i32
    %c0_i32_0 = arith.constant 0 : i32
    %c0_i32_1 = arith.constant 0 : i32
    return %c0_i32, %c0_i32_0 : i32, i32
  }
  func.func @transform_5(%arg0: i32) -> (i32, i32) {
    %c0_i32 = arith.constant 0 : i32
    %c0_i32_0 = arith.constant 0 : i32
    %c0_i32_1 = arith.constant 0 : i32
    return %c0_i32, %c0_i32_0 : i32, i32
  }
  func.func @transform_6(%arg0: i32) -> (i32, i32) {
    %c0_i32 = arith.constant 0 : i32
    %c0_i32_0 = arith.constant 0 : i32
    return %arg0, %c0_i32 : i32, i32
  }
}

module attributes {stable_mosaic.version = 14 : i64} {
  func.func @_tc_post_body(%arg0: i32, %arg1: memref<512x128xf32, #tpu.memory_space<vmem>>, %arg2: memref<512x64xf32, #tpu.memory_space<vmem>>, %arg3: memref<64x128xf32, #tpu.memory_space<vmem>>, %arg4: memref<512x128xf32, #tpu.memory_space<vmem>>) attributes {dimension_semantics = [#tpu.dimension_semantics<arbitrary>], iteration_bounds = array<i64: 100>, scalar_prefetch = 0 : i64, scratch_operands = 0 : i64, tpu.core_type = #tpu.core_type<tc>, window_params = [{transform_indices = @transform_0, window_bounds = array<i64: 512, 128>}, {transform_indices = @transform_1, window_bounds = array<i64: 512, 64>}, {pipeline_mode = #tpu.pipeline_mode<synchronous>, transform_indices = @transform_2, window_bounds = array<i64: 64, 128>}, {transform_indices = @transform_3, window_bounds = array<i64: 512, 128>}]} {
    %get3A = arith.constant 0 : index
    %get3A_0 = arith.constant 0 : index
    %get3A_1 = vector.load %arg1[%get3A, %get3A_0] : memref<512x128xf32, #tpu.memory_space<vmem>>, vector<512x128xf32>
    %get3A_2 = arith.constant 0 : index
    %get3A_3 = arith.constant 0 : index
    %get3A_4 = vector.load %arg2[%get3A_2, %get3A_3] : memref<512x64xf32, #tpu.memory_space<vmem>>, vector<512x64xf32>
    %get3A_5 = arith.constant 0 : index
    %get3A_6 = arith.constant 0 : index
    %get3A_7 = vector.load %arg3[%get3A_5, %get3A_6] : memref<64x128xf32, #tpu.memory_space<vmem>>, vector<64x128xf32>
    %dot_general3A = arith.constant dense<0.000000e+00> : vector<512x128xf32>
    %dot_general3A_8 = tpu.matmul %get3A_4, %get3A_7, %dot_general3A {dimension_numbers = #tpu.dot_dimension_numbers<[1], [0], [0], [1], [0, 0, 1, 1], [], []>, transpose_lhs_hint = false} : vector<512x64xf32>, vector<64x128xf32>, vector<512x128xf32> -> vector<512x128xf32>
    %add3A = arith.addf %get3A_1, %dot_general3A_8 : vector<512x128xf32>
    %swap3A = arith.constant 0 : index
    %swap3A_9 = arith.constant 0 : index
    %swap3A_10 = vector.load %arg4[%swap3A, %swap3A_9] : memref<512x128xf32, #tpu.memory_space<vmem>>, vector<512x128xf32>
    tpu.vector_store %arg4[%swap3A, %swap3A_9], %add3A {strides = array<i32>} : memref<512x128xf32, #tpu.memory_space<vmem>>, vector<512x128xf32>,
    return
  }
  func.func @transform_0(%arg0: i32) -> (i32, i32) {
    %c0_i32 = arith.constant 0 : i32
    %c0_i32_0 = arith.constant 0 : i32
    return %arg0, %c0_i32 : i32, i32
  }
  func.func @transform_1(%arg0: i32) -> (i32, i32) {
    %c0_i32 = arith.constant 0 : i32
    %c0_i32_0 = arith.constant 0 : i32
    return %arg0, %c0_i32 : i32, i32
  }
  func.func @transform_2(%arg0: i32) -> (i32, i32) {
    %c0_i32 = arith.constant 0 : i32
    %c0_i32_0 = arith.constant 0 : i32
    %c0_i32_1 = arith.constant 0 : i32
    return %c0_i32, %c0_i32_0 : i32, i32
  }
  func.func @transform_3(%arg0: i32) -> (i32, i32) {
    %c0_i32 = arith.constant 0 : i32
    %c0_i32_0 = arith.constant 0 : i32
    return %arg0, %c0_i32 : i32, i32
  }
}

</mosaic_0001>

<sc_bundles>
// kernel: kernel.5.cloned.1.call-start
scs
__scs_entry_jumppad:
0x0: {  	(pc) =	sbr.rel $0x88, $3  }
0x1: {  	(tag) =	ssettag $0x0;
	lr =	simm.s32 $0x1  }
0x2: {  	[smem:$0x3F99] =	sst lr;
	_ =	strace $0xD0000000  }
0x3: {  	_ = 	snop  }
0x4: {  	_ = 	snop  }
0x5: {  	_ = 	snop  }
0x6: {  	_ = 	snop  }
0x7: {  	_ = 	snop  }
__scs_overlays_trampoline_lowered:
0x8: {  	[smem:$0x3FA8] =	sst s0  }
0x9: {  	[smem:$0x3FA9] =	sst s1  }
0xa: {  	[smem:$0x3FAA] =	sst s2  }
0xb: {  	[smem:$0x3FAB] =	sst s3  }
0xc: {  	[smem:$0x3FAC] =	sst s4  }
0xd: {  	[smem:$0x3FAD] =	sst s5  }
0xe: {  	[smem:$0x3FAE] =	sst s6  }
0xf: {  	[smem:$0x3FAF] =	sst s7  }
0x10: {  	[smem:$0x3FB0] =	sst s8  }
0x11: {  	[smem:$0x3FB1] =	sst s9;
	s0 =	simm.s32 @!p0 $0x0  }
0x12: {  	s1 =	sld [smem:$0x3F97];
	s0 =	simm.s32 @p0 $0x1  }
0x13: {  	[smem:$0x3FB2] =	sst s0;
	s0 =	simm.s32 @!p1 $0x0  }
0x14: {  	s2 =	sld [smem:$0x3F96];
	s0 =	simm.s32 @p1 $0x1  }
0x15: {  	[smem:$0x3FB3] =	sst s0;
	s0 =	simm.s32 @!p2 $0x0  }
0x16: {  	s3 =	sld [smem:$0x3FDB];
	s0 =	simm.s32 @p2 $0x1  }
0x17: {  	s4 =	simm.s32 $0x1BF5;
	[smem:$0x3FB5] =	sst s0  }
0x18: {  	s0 =	sld [smem:$0x3F98];
	_ =	swait.ge [sflag:s4], $0x0  }
0x19: {  	s7 =	sld [smem:$0x3F99]  }
0x1a: {  	s8 =	sadd.s32 $0xFFFFE003, lr  }
0x1b: {  	s9 =	sadd.s32 $0xFFFFFEF7, lr;
	s5 =	simm.s32 $0xFFFFFFFF;
	p2 =	slt.u32 s8, $0xFFFFF086  }
0x1c: {  	p1 =	slt.u32 s9, $0xF7A;
	s5 =	simm.s32 @!p2 $0x0  }
0x1d: {  	s5 =	simm.s32 @p1 $0x1;
	p0 =	seq.s32 s7, s2  }
0x1e: {  	s7 =	smul.u32 @!p0 $0xF7A, s2;
	p2 =	seq.s32 @!p0 s5, $0x0  }
0x1f: {  	s9 =	smul.u32 $0xF7A, s1;
	s8 =	simm.s32 @!p0 $0x1BF5;
	p2 =	por !p2, p0  }
0x20: {  	[sflag:s8] =	ssyncset.s32 @!p0 $0xFFFFF086;
	s6 =	sadd.s32 @!p0 s3, s7;
	s7 =	simm.s32 @!p0 $0x108  }
0x21: {  	s3 =	sadd.s32 s3, s9;
	s6 =	sadd.s32 @!p0 $0x88, s6;
	s7 =	simm.s32 @p2 $0x1082  }
0x22: {  	[simem:s7], [sflag:s8] =	dma.local @!p0 [hbm:s6], $0xF7A  }
0x23: {  	s9 =	sor.u32 $0xD0000000, s2;
	s6 =	simm.s32 $0x108;
	_ =	swait.ge @!p0 [sflag:s8], $0x0  }
0x24: {  	s3 =	sadd.s32 $0x88, s3;
	s6 =	simm.s32 @!p1 $0x1082;
	[sflag:s4] =	ssyncset.s32 $0xFFFFF086  }
0x25: {  	[simem:s6], [sflag:s4] =	dma.local [hbm:s3], $0xF7A  }
0x26: {  	[smem:$0x3F99] =	sst s1;
	(tag) =	ssettag s2;
	_ =	strace s9  }
0x27: {  	s1 =	sld [smem:$0x3FA9]  }
0x28: {  	s2 =	sld [smem:$0x3FAA]  }
0x29: {  	s4 =	sld [smem:$0x3FAC]  }
0x2a: {  	p0 =	seq.s32 s5, $0x0;
	s5 =	sld [smem:$0x3FAD]  }
0x2b: {  	s6 =	sld [smem:$0x3FAE]  }
0x2c: {  	s7 =	sld [smem:$0x3FAF]  }
0x2d: {  	s3 =	simm.s32 $0x108;
	s8 =	sld [smem:$0x3FB0]  }
0x2e: {  	s3 =	simm.s32 @!p0 $0x1082;
	s9 =	sld [smem:$0x3FB1]  }
0x2f: {  	lr =	sadd.s32 s0, s3;
	s0 =	sld [smem:$0x3FA8]  }
0x30: {  	s3 =	sld [smem:$0x3FAB]  }
0x31: {  	[smem:$0x3FB4] =	sst s10  }
0x32: {  	s10 =	sld [smem:$0x3FB2];
	_ =	sdelay $0x3  }
0x33: {  	p0 =	seq.s32 s10, $0x1;
	s10 =	sld [smem:$0x3FB4];
	_ =	sdelay $0x3  }
0x34: {  	[smem:$0x3FB4] =	sst s10  }
0x35: {  	s10 =	sld [smem:$0x3FB3];
	_ =	sdelay $0x3  }
0x36: {  	p1 =	seq.s32 s10, $0x1;
	s10 =	sld [smem:$0x3FB4];
	_ =	sdelay $0x3  }
0x37: {  	[smem:$0x3FB4] =	sst s10  }
0x38: {  	s10 =	sld [smem:$0x3FB5]  }
0x39: {  	_ = 	snop;
	(pc) =	sbr.ind lr, $3  }
0x3a: {  	_ = 	snop  }
0x3b: {  	_ = 	snop  }
0x3c: {  	p2 =	seq.s32 s10, $0x1;
	s10 =	sld [smem:$0x3FB4]  }
0x3d: {  	_ =	shalt  }
0x3e: {  	_ =	shalt  }
0x3f: {  	_ =	shalt  }
0x40: {  	_ =	shalt  }
0x41: {  	_ =	shalt  }
0x42: {  	_ =	shalt  }
0x43: {  	_ =	shalt  }
0x44: {  	_ =	shalt  }
0x45: {  	_ =	shalt  }
0x46: {  	_ =	shalt  }
0x47: {  	_ =	shalt  }
0x48: {  	_ =	shalt  }
0x49: {  	_ =	shalt  }
0x4a: {  	_ =	shalt  }
0x4b: {  	_ =	shalt  }
0x4c: {  	_ =	shalt  }
0x4d: {  	_ =	shalt  }
0x4e: {  	_ =	shalt  }
0x4f: {  	_ =	shalt  }
0x50: {  	_ =	shalt  }
0x51: {  	_ =	shalt  }
0x52: {  	_ =	shalt  }
0x53: {  	_ =	shalt  }
0x54: {  	_ =	shalt  }
0x55: {  	_ =	shalt  }
0x56: {  	_ =	shalt  }
0x57: {  	_ =	shalt  }
0x58: {  	_ =	shalt  }
0x59: {  	_ =	shalt  }
0x5a: {  	_ =	shalt  }
0x5b: {  	_ =	shalt  }
0x5c: {  	_ =	shalt  }
0x5d: {  	_ =	shalt  }
0x5e: {  	_ =	shalt  }
0x5f: {  	_ =	shalt  }
0x60: {  	_ =	shalt  }
0x61: {  	_ =	shalt  }
0x62: {  	_ =	shalt  }
0x63: {  	_ =	shalt  }
0x64: {  	_ =	shalt  }
0x65: {  	_ =	shalt  }
0x66: {  	_ =	shalt  }
0x67: {  	_ =	shalt  }
0x68: {  	_ =	shalt  }
0x69: {  	_ =	shalt  }
0x6a: {  	_ =	shalt  }
0x6b: {  	_ =	shalt  }
0x6c: {  	_ =	shalt  }
0x6d: {  	_ =	shalt  }
0x6e: {  	_ =	shalt  }
0x6f: {  	_ =	shalt  }
0x70: {  	_ =	shalt  }
0x71: {  	_ =	shalt  }
0x72: {  	_ =	shalt  }
0x73: {  	_ =	shalt  }
0x74: {  	_ =	shalt  }
0x75: {  	_ =	shalt  }
0x76: {  	_ =	shalt  }
0x77: {  	_ =	shalt  }
0x78: {  	_ =	shalt  }
0x79: {  	_ =	shalt  }
0x7a: {  	_ =	shalt  }
0x7b: {  	_ =	shalt  }
0x7c: {  	_ =	shalt  }
0x7d: {  	_ =	shalt  }
0x7e: {  	_ =	shalt  }
0x7f: {  	_ =	shalt  }
0x80: {  	_ =	shalt  }
0x81: {  	_ =	shalt  }
0x82: {  	_ =	shalt  }
0x83: {  	_ =	shalt  }
0x84: {  	_ =	shalt  }
0x85: {  	_ =	shalt  }
0x86: {  	_ =	shalt  }
0x87: {  	_ =	shalt  }
.Lfunc_end0:
.L_simem_size_0:
called_computation_lowered:
.L_overlay_start_0:
0x88: {  	s2 =	sld [smem:$0x3FD9]  }
0x89: {  	s3 =	sld [smem:$0x3FFE];
	_ =	sdelay $0x1  }
0x8a: {  	s1 =	srdreg.scid  }
0x8b: {  	s0 =	sand.u32 $0x1, s1  }
0x8c: {  	s16 =	sshll.u32 s0, $0xA;
	s2 =	sadd.s32 s3, s2  }
0x8d: {  	s2 =	sadd.s32 s2, s16  }
0x8e: {  	[smem:$0x3FC0] =	sst s2  }
0x8f: {  	_ = 	snop  }
0x90: {  	(tm) =	ssettm $0x1  }
0x91: {  	s17 =	sld [smem:$0x3FFB];
	_ =	sdelay $0x3  }
0x92: {  	_ =	strace s17  }
0x93: {  	s2 =	sld [smem:$0x3FFC];
	_ =	sdelay $0x3  }
0x94: {  	_ =	strace s2  }
0x95: {  	s2 =	sld [smem:$0x3FFD];
	_ =	sdelay $0x3  }
0x96: {  	_ =	strace s2  }
0x97: {  	_ =	strace $0x8FFFFFFF  }
0x98: {  	s18 =	sld [smem:$0x3FDB];
	_ =	sdelay $0x1  }
0x99: {  	s19 =	simm.s32 $_scs_section_size  }
0x9a: {  	s4 =	simm.s32 $_size__tile_overlayer_lowered;
	s5 =	simm.s32 $_tile_overlayer_lowered  }
0x9b: {  	s22 =	simm.s32 $0x1BFF;
	s21 =	sshll.u32 s5, $0x1;
	s2 =	sadd.s32 s19, s18  }
0x9c: {  	s6 =	simm.s32 $0x0;
	s20 =	sshll.u32 s4, $0x1;
	s4 =	sadd.s32 s21, s2  }
0x9d: {  	[timem:s6], [sflag:s22] =	dma.local [hbm:s4], s20  }
0x9e: {  	_ =	swait.ge [sflag:s22], s20  }
0x9f: {  	s3 =	ssub.s32 $0x0, s20;
	[sflag:s22] =	ssyncset.done $0x0  }
0xa0: {  	[sflag:s22] =	ssyncadd.s32 s3;
	_ =	sdelay $0x1  }
0xa1: {  	s23 =	simm.s32 $0x1B8B  }
0xa2: {  	_ =	swait.ge [sflag:s23], $0x1  }
0xa3: {  	[sflag:s23] =	ssyncset.done $0x0  }
0xa4: {  	s25 =	simm.s32 $0x1B8E;
	s24 =	sld [smem:$0x3FFE];
	[sflag:s23] =	ssyncadd.s32 $0xFFFFFFFF  }
0xa5: {  	s26 =	simm.s32 $execute0_lowered;
	[smem:$0x3FD2] =	sst s25  }
0xa6: {  	s4 =	sshll.u32 s26, $0x1;
	_ =	strace $0x80000046;
	[dreg:$0x1] =	wrdreg $0xFFFFFFFF  }
0xa7: {  	s28 =	simm.s32 $_size_execute0_lowered;
	s2 =	sadd.s32 s2, s4;
	[dreg:$0x0] =	wrdreg $0x0  }
0xa8: {  	s4 =	sshll.u32 s28, $0x1;
	[dreg:$0x2] =	wrdreg s2  }
0xa9: {  	[dreg:$0x3] =	wrdreg s4  }
0xaa: {  	[dreg:$0x4] =	wrdreg $0xC0  }
0xab: {  	_ =	task [dreg:s6], $0x5FFFF  }
0xac: {  	[dreg:$0x1] =	wrdreg $0xFFFFFFFF  }
0xad: {  	[dreg:$0x0] =	wrdreg $0x60  }
0xae: {  	[dreg:$0x2] =	wrdreg s24  }
0xaf: {  	[dreg:$0x3] =	wrdreg $0x9  }
0xb0: {  	_ =	task.clear_ibuf [dreg:s6], $0x4FFFF;
	_ =	strace $0x90000046  }
0xb1: {  	s29 =	simm.s32 $0x9;
	_ =	strace $0x80000048  }
0xb2: {  	_ =	swait.ge [sflag:s29], $0x1  }
0xb3: {  	[sflag:s29] =	ssyncadd.s32 $0xFFFFFFFF  }
0xb4: {  	_ =	strace $0x90000048  }
0xb5: {  	_ =	sfence  }
0xb6: {  	s30 =	sld [smem:$0x0];
	_ =	sdelay $0x2  }
0xb7: {  	s31 =	sshll.u32 s1, $0xD;
	s1 =	sshrl.u32 s1, $0x2  }
0xb8: {  	s3 =	sand.u32 $0x4000, s31;
	s1 =	sadd.s32 s1, s30  }
0xb9: {  	s0 =	sor.u32 s3, s0;
	s1 =	sshll.u32 s1, $0x11  }
0xba: {  	s0 =	sor.u32 s1, s0  }
0xbb: {  	s0 =	sadd.s32 $0x8F2B, s0  }
0xbc: {  	[sflag:s0] =	ssyncadd.remote.s32 $0x1  }
0xbd: {  	_ =	sfence.sel $0xFFFF  }
0xbe: {  	[dreg:$0x0] =	wrdreg $0xFFFFFFFF;
	(pc) =	sbr.abs _section_cstart, $3  }
0xbf: {  	[dreg:$0x1] =	wrdreg $0xFFFFFFFF  }
0xc0: {  	_ =	task.clear_ibuf [dreg:s6], $0x2FFFF;
	_ =	strace $0x9FFFFFFF  }
0xc1: {  	(tm) =	ssettm $0x7FFFFFFF  }
tec
execute0_lowered:
.L_overlay_start_1:
0x0: {  	(tag) =	ssettag $0x1  }
0x1: {  	s1 =	srdreg.scid  }
0x2: {  	s0 =	stileid.u32;
	s5 =	rddreg [dreg:$0x0];
	s2 =	simm.s32 $0x0  }
0x3: {  	s9 =	simm.s32 $0x3;
	s10 =	simm.s32 $0x80;
	s11 =	simm.s32 $0x6400  }
0x4: {  	s12 =	simm.s32 $0xA400;
	s13 =	simm.s32 $0x100;
	s14 =	simm.s32 $0xE400  }
0x5: {  	s15 =	simm.s32 $0x180;
	s16 =	simm.s32 $0x12400;
	s17 =	simm.s32 $0x1  }
0x6: {  	s18 =	simm.s32 $0x16400;
	s19 =	simm.s32 $0x2;
	s20 =	simm.s32 $0x0  }
0x7: {  	s3 =	sand.u32 $0x1, s1;
	s4 =	sshll.u32 s0, $0x1;
	s1 =	rddreg [dreg:$0x1]  }
.Ltmp0:
0x8: {  	[smem:$0x7FF] =	sst s2;
	s4 =	sor.u32 s3, s4;
	(pc) =	sbr.rel .LBB2_1-.Ltmp0, $4  }
0x9: {  	_ =	strace $0x80000047;
	s7 =	ssub.s32 $0x2, s3;
	s6 =	smul.u32 $0xC80, s4  }
0xa: {  	s8 =	sshrl.u32 s7, $0x1;
	s3 =	smul.u32 $0x64, s4;
	s4 =	sadd.s32 $0xF5C600, s5  }
0xb: {  	s8 =	ssub.s32 s7, s8;
	s6 =	sadd.s32 s6, s5;
	s5 =	sadd.s32 $0x1200, s5  }
0xc: {  	s7 =	sor.u32 $0x1, s3;
	s8 =	smax.u32 s8, $0x1;
	s6 =	sadd.s32 $0xF43600, s6  }
.LBB2_8:
0xd: {  	s20 =	sadd.s32 $0x1, s20  }
0xe: {  	p0 =	sne.s32 s20, s8  }
.Ltmp1:
0xf: {  	_ = 	snop;
	(pc) =	sbr.rel @!p0 .LBB2_9-.Ltmp1, $1  }
0x10: {  	_ =	sdelay $0x3  }
.LBB2_1:
0x11: {  	[tilespmem:s2], [sflag:$0x3] =	stream.linear.gather [hbm4b:s6+s2], $0x6400, $0x38;
	[tilespmem:$0x16C00] =	vst v63  }
0x12: {  	_ =	swait.ge [sflag:s9], $0x6400  }
0x13: {  	[sflag:s9] =	ssyncset.done $0x0  }
0x14: {  	[sflag:s9] =	ssyncadd.s32 $0xFFFF9C00  }
0x15: {  	[tilespmem:s11], [sflag:$0x1] =	stream.indirect.gather [hbm4b:s4+s10], $0x80, s2, s10, $0xb8;
	[tilespmem:$0x16C00] =	vst v63  }
0x16: {  	_ = 	snop  }
0x17: {  	[tilespmem:s12], [sflag:$0x1] =	stream.indirect.gather [hbm4b:s4+s10], $0x80, s10, s10, $0xb8;
	[tilespmem:$0x16C00] =	vst v63  }
0x18: {  	_ = 	snop  }
0x19: {  	[tilespmem:s14], [sflag:$0x2] =	stream.indirect.gather [hbm4b:s4+s10], $0x80, s13, s10, $0xb8;
	[tilespmem:$0x16C00] =	vst v63  }
0x1a: {  	s21 =	simm.s32 $0x0  }
0x1b: {  	[tilespmem:s16], [sflag:$0x2] =	stream.indirect.gather [hbm4b:s4+s10], $0x80, s15, s10, $0xb8;
	[tilespmem:$0x16C00] =	vst v63  }
.LBB2_2:
0x1c: {  	_ =	swait.ge [sflag:s17], $0x4000  }
0x1d: {  	[sflag:s17] =	ssyncset.done $0x0  }
0x1e: {  	[sflag:s17] =	ssyncadd.s32 $0xFFFFC000  }
0x1f: {  	_ =	swait.ge [sflag:s17], $0x4000  }
0x20: {  	[sflag:s17] =	ssyncset.done $0x0  }
0x21: {  	s22 =	simm.s32 $0x6800;
	[sflag:s17] =	ssyncadd.s32 $0xFFFFC000  }
0x22: {  	v0 =	vld [tilespmem:s22+$0xFFFFFC80]  }
0x23: {  	v1 =	vld [tilespmem:s22+$0xFFFFFC00];
	_ =	sdelay $0x1  }
0x24: {  	v2 =	vld [tilespmem:s22+$0xFFFFFD00];
	_ =	sdelay $0x1  }
0x25: {  	v3 =	vld [tilespmem:s22+$0xFFFFFD80]  }
0x26: {  	v0 =	vadd.f32 v0, v1  }
0x27: {  	v1 =	vld [tilespmem:s22+$0xFFFFFE00]  }
0x28: {  	v0 =	vadd.f32 v2, v0  }
0x29: {  	v2 =	vld [tilespmem:s22+$0xFFFFFE80]  }
0x2a: {  	v0 =	vadd.f32 v3, v0  }
0x2b: {  	v3 =	vld [tilespmem:s22+$0xFFFFFF00]  }
0x2c: {  	v0 =	vadd.f32 v1, v0  }
0x2d: {  	v1 =	vld [tilespmem:s22+$0xFFFFFF80]  }
0x2e: {  	v0 =	vadd.f32 v2, v0  }
0x2f: {  	v2 =	vld [tilespmem:s22+$0x0]  }
0x30: {  	v0 =	vadd.f32 v3, v0  }
0x31: {  	v3 =	vld [tilespmem:s22+$0x80]  }
0x32: {  	v0 =	vadd.f32 v1, v0  }
0x33: {  	v1 =	vld [tilespmem:s22+$0x100]  }
0x34: {  	v0 =	vadd.f32 v2, v0  }
0x35: {  	v2 =	vld [tilespmem:s22+$0x180]  }
0x36: {  	v0 =	vadd.f32 v3, v0  }
0x37: {  	v3 =	vld [tilespmem:s22+$0x200]  }
0x38: {  	v0 =	vadd.f32 v1, v0  }
0x39: {  	v1 =	vld [tilespmem:s22+$0x280]  }
0x3a: {  	v0 =	vadd.f32 v2, v0  }
0x3b: {  	v2 =	vld [tilespmem:s22+$0x300]  }
0x3c: {  	v0 =	vadd.f32 v3, v0  }
0x3d: {  	v3 =	vld [tilespmem:s22+$0x380]  }
0x3e: {  	v0 =	vadd.f32 v1, v0;
	_ =	sdelay $0x1  }
0x3f: {  	v0 =	vadd.f32 v2, v0;
	_ =	sdelay $0x1  }
0x40: {  	v0 =	vadd.f32 v3, v0  }
0x41: {  	s23 =	simm.s32 $0x0  }
0x42: {  	[tilespmem:s23+$0x16400] =	vst v0  }
0x43: {  	v0 =	vld [tilespmem:s22+$0xFFFFFC10]  }
0x44: {  	v1 =	vld [tilespmem:s22+$0xFFFFFC90];
	_ =	sdelay $0x1  }
0x45: {  	v2 =	vld [tilespmem:s22+$0xFFFFFD10];
	_ =	sdelay $0x1  }
0x46: {  	v3 =	vld [tilespmem:s22+$0xFFFFFD90]  }
0x47: {  	v0 =	vadd.f32 v1, v0  }
0x48: {  	v1 =	vld [tilespmem:s22+$0xFFFFFE10]  }
0x49: {  	v0 =	vadd.f32 v2, v0  }
0x4a: {  	v2 =	vld [tilespmem:s22+$0xFFFFFE90]  }
0x4b: {  	v0 =	vadd.f32 v3, v0  }
0x4c: {  	v3 =	vld [tilespmem:s22+$0xFFFFFF10]  }
0x4d: {  	v0 =	vadd.f32 v1, v0  }
0x4e: {  	v1 =	vld [tilespmem:s22+$0xFFFFFF90]  }
0x4f: {  	v0 =	vadd.f32 v2, v0  }
0x50: {  	v2 =	vld [tilespmem:s22+$0x10]  }
0x51: {  	v0 =	vadd.f32 v3, v0  }
0x52: {  	v3 =	vld [tilespmem:s22+$0x90]  }
0x53: {  	v0 =	vadd.f32 v1, v0  }
0x54: {  	v1 =	vld [tilespmem:s22+$0x110]  }
0x55: {  	v0 =	vadd.f32 v2, v0  }
0x56: {  	v2 =	vld [tilespmem:s22+$0x190]  }
0x57: {  	v0 =	vadd.f32 v3, v0  }
0x58: {  	v3 =	vld [tilespmem:s22+$0x210]  }
0x59: {  	v0 =	vadd.f32 v1, v0  }
0x5a: {  	v1 =	vld [tilespmem:s22+$0x290]  }
0x5b: {  	v0 =	vadd.f32 v2, v0  }
0x5c: {  	v2 =	vld [tilespmem:s22+$0x310]  }
0x5d: {  	v0 =	vadd.f32 v3, v0  }
0x5e: {  	v3 =	vld [tilespmem:s22+$0x390]  }
0x5f: {  	v0 =	vadd.f32 v1, v0;
	_ =	sdelay $0x1  }
0x60: {  	v0 =	vadd.f32 v2, v0;
	_ =	sdelay $0x1  }
0x61: {  	v0 =	vadd.f32 v3, v0;
	_ =	sdelay $0x1  }
0x62: {  	[tilespmem:s23+$0x16410] =	vst v0  }
0x63: {  	v0 =	vld [tilespmem:s22+$0xFFFFFC20]  }
0x64: {  	v1 =	vld [tilespmem:s22+$0xFFFFFCA0];
	_ =	sdelay $0x1  }
0x65: {  	v2 =	vld [tilespmem:s22+$0xFFFFFD20];
	_ =	sdelay $0x1  }
0x66: {  	v3 =	vld [tilespmem:s22+$0xFFFFFDA0]  }
0x67: {  	v0 =	vadd.f32 v1, v0  }
0x68: {  	v1 =	vld [tilespmem:s22+$0xFFFFFE20]  }
0x69: {  	v0 =	vadd.f32 v2, v0  }
0x6a: {  	v2 =	vld [tilespmem:s22+$0xFFFFFEA0]  }
0x6b: {  	v0 =	vadd.f32 v3, v0  }
0x6c: {  	v3 =	vld [tilespmem:s22+$0xFFFFFF20]  }
0x6d: {  	v0 =	vadd.f32 v1, v0  }
0x6e: {  	v1 =	vld [tilespmem:s22+$0xFFFFFFA0]  }
0x6f: {  	v0 =	vadd.f32 v2, v0  }
0x70: {  	v2 =	vld [tilespmem:s22+$0x20]  }
0x71: {  	v0 =	vadd.f32 v3, v0  }
0x72: {  	v3 =	vld [tilespmem:s22+$0xA0]  }
0x73: {  	v0 =	vadd.f32 v1, v0  }
0x74: {  	v1 =	vld [tilespmem:s22+$0x120]  }
0x75: {  	v0 =	vadd.f32 v2, v0  }
0x76: {  	v2 =	vld [tilespmem:s22+$0x1A0]  }
0x77: {  	v0 =	vadd.f32 v3, v0  }
0x78: {  	v3 =	vld [tilespmem:s22+$0x220]  }
0x79: {  	v0 =	vadd.f32 v1, v0  }
0x7a: {  	v1 =	vld [tilespmem:s22+$0x2A0]  }
0x7b: {  	v0 =	vadd.f32 v2, v0  }
0x7c: {  	v2 =	vld [tilespmem:s22+$0x320]  }
0x7d: {  	v0 =	vadd.f32 v3, v0  }
0x7e: {  	v3 =	vld [tilespmem:s22+$0x3A0]  }
0x7f: {  	v0 =	vadd.f32 v1, v0;
	_ =	sdelay $0x1  }
0x80: {  	v0 =	vadd.f32 v2, v0;
	_ =	sdelay $0x1  }
0x81: {  	v0 =	vadd.f32 v3, v0;
	_ =	sdelay $0x1  }
0x82: {  	[tilespmem:s23+$0x16420] =	vst v0  }
0x83: {  	v0 =	vld [tilespmem:s22+$0xFFFFFC30]  }
0x84: {  	v1 =	vld [tilespmem:s22+$0xFFFFFCB0];
	_ =	sdelay $0x1  }
0x85: {  	v2 =	vld [tilespmem:s22+$0xFFFFFD30];
	_ =	sdelay $0x1  }
0x86: {  	v3 =	vld [tilespmem:s22+$0xFFFFFDB0]  }
0x87: {  	v0 =	vadd.f32 v1, v0  }
0x88: {  	v1 =	vld [tilespmem:s22+$0xFFFFFE30]  }
0x89: {  	v0 =	vadd.f32 v2, v0  }
0x8a: {  	v2 =	vld [tilespmem:s22+$0xFFFFFEB0]  }
0x8b: {  	v0 =	vadd.f32 v3, v0  }
0x8c: {  	v3 =	vld [tilespmem:s22+$0xFFFFFF30]  }
0x8d: {  	v0 =	vadd.f32 v1, v0  }
0x8e: {  	v1 =	vld [tilespmem:s22+$0xFFFFFFB0]  }
0x8f: {  	v0 =	vadd.f32 v2, v0  }
0x90: {  	v2 =	vld [tilespmem:s22+$0x30]  }
0x91: {  	v0 =	vadd.f32 v3, v0  }
0x92: {  	v3 =	vld [tilespmem:s22+$0xB0]  }
0x93: {  	v0 =	vadd.f32 v1, v0  }
0x94: {  	v1 =	vld [tilespmem:s22+$0x130]  }
0x95: {  	v0 =	vadd.f32 v2, v0  }
0x96: {  	v2 =	vld [tilespmem:s22+$0x1B0]  }
0x97: {  	v0 =	vadd.f32 v3, v0  }
0x98: {  	v3 =	vld [tilespmem:s22+$0x230]  }
0x99: {  	v0 =	vadd.f32 v1, v0  }
0x9a: {  	v4 =	vld [tilespmem:s22+$0x2B0]  }
0x9b: {  	v0 =	vadd.f32 v2, v0  }
0x9c: {  	v1 =	vld [tilespmem:s22+$0x330]  }
0x9d: {  	v2 =	vadd.f32 v3, v0  }
0x9e: {  	v0 =	vld [tilespmem:s22+$0x3B0]  }
0x9f: {  	s24 =	simm.s32 $0x200;
	v2 =	vadd.f32 v4, v2  }
.LBB2_3:
0xa0: {  	p0 =	sne.s32 s24, $0x1E00  }
0xa1: {  	s22 =	sadd.s32 $0x800, s22;
	s25 =	smov.u32 s24;
	s24 =	sadd.s32 $0x200, s24;
	v1 =	vadd.f32 v1, v2  }
0xa2: {  	_ = 	snop  }
0xa3: {  	v0 =	vadd.f32 v0, v1;
	_ =	sdelay $0x1  }
0xa4: {  	[tilespmem:s23+$0x16430] =	vst v0  }
0xa5: {  	v0 =	vld [tilespmem:s22+$0xFFFFFC80]  }
0xa6: {  	v1 =	vld [tilespmem:s22+$0xFFFFFC00];
	_ =	sdelay $0x1  }
0xa7: {  	v2 =	vld [tilespmem:s22+$0xFFFFFD00];
	_ =	sdelay $0x1  }
0xa8: {  	v3 =	vld [tilespmem:s22+$0xFFFFFD80]  }
0xa9: {  	v0 =	vadd.f32 v0, v1  }
0xaa: {  	v1 =	vld [tilespmem:s22+$0xFFFFFE00]  }
0xab: {  	v0 =	vadd.f32 v2, v0  }
0xac: {  	v2 =	vld [tilespmem:s22+$0xFFFFFE80]  }
0xad: {  	v0 =	vadd.f32 v3, v0  }
0xae: {  	v3 =	vld [tilespmem:s22+$0xFFFFFF00]  }
0xaf: {  	v0 =	vadd.f32 v1, v0  }
0xb0: {  	v1 =	vld [tilespmem:s22+$0xFFFFFF80]  }
0xb1: {  	v0 =	vadd.f32 v2, v0  }
0xb2: {  	v2 =	vld [tilespmem:s22+$0x0]  }
0xb3: {  	v0 =	vadd.f32 v3, v0  }
0xb4: {  	v3 =	vld [tilespmem:s22+$0x80]  }
0xb5: {  	v0 =	vadd.f32 v1, v0  }
0xb6: {  	v1 =	vld [tilespmem:s22+$0x100]  }
0xb7: {  	v0 =	vadd.f32 v2, v0  }
0xb8: {  	v2 =	vld [tilespmem:s22+$0x180]  }
0xb9: {  	v0 =	vadd.f32 v3, v0  }
0xba: {  	v3 =	vld [tilespmem:s22+$0x200]  }
0xbb: {  	v0 =	vadd.f32 v1, v0  }
0xbc: {  	v1 =	vld [tilespmem:s22+$0x280]  }
0xbd: {  	v0 =	vadd.f32 v2, v0  }
0xbe: {  	v2 =	vld [tilespmem:s22+$0x300]  }
0xbf: {  	v0 =	vadd.f32 v3, v0  }
0xc0: {  	v3 =	vld [tilespmem:s22+$0x380]  }
0xc1: {  	v0 =	vadd.f32 v1, v0;
	_ =	sdelay $0x1  }
0xc2: {  	v0 =	vadd.f32 v2, v0;
	_ =	sdelay $0x1  }
0xc3: {  	v0 =	vadd.f32 v3, v0  }
0xc4: {  	s23 =	sshra.s32 s25, $0x2  }
0xc5: {  	[tilespmem:s23+$0x16400] =	vst v0  }
0xc6: {  	v0 =	vld [tilespmem:s22+$0xFFFFFC10]  }
0xc7: {  	v1 =	vld [tilespmem:s22+$0xFFFFFC90];
	_ =	sdelay $0x1  }
0xc8: {  	v2 =	vld [tilespmem:s22+$0xFFFFFD10];
	_ =	sdelay $0x1  }
0xc9: {  	v3 =	vld [tilespmem:s22+$0xFFFFFD90]  }
0xca: {  	v0 =	vadd.f32 v1, v0  }
0xcb: {  	v1 =	vld [tilespmem:s22+$0xFFFFFE10]  }
0xcc: {  	v0 =	vadd.f32 v2, v0  }
0xcd: {  	v2 =	vld [tilespmem:s22+$0xFFFFFE90]  }
0xce: {  	v0 =	vadd.f32 v3, v0  }
0xcf: {  	v3 =	vld [tilespmem:s22+$0xFFFFFF10]  }
0xd0: {  	v0 =	vadd.f32 v1, v0  }
0xd1: {  	v1 =	vld [tilespmem:s22+$0xFFFFFF90]  }
0xd2: {  	v0 =	vadd.f32 v2, v0  }
0xd3: {  	v2 =	vld [tilespmem:s22+$0x10]  }
0xd4: {  	v0 =	vadd.f32 v3, v0  }
0xd5: {  	v3 =	vld [tilespmem:s22+$0x90]  }
0xd6: {  	v0 =	vadd.f32 v1, v0  }
0xd7: {  	v1 =	vld [tilespmem:s22+$0x110]  }
0xd8: {  	v0 =	vadd.f32 v2, v0  }
0xd9: {  	v2 =	vld [tilespmem:s22+$0x190]  }
0xda: {  	v0 =	vadd.f32 v3, v0  }
0xdb: {  	v3 =	vld [tilespmem:s22+$0x210]  }
0xdc: {  	v0 =	vadd.f32 v1, v0  }
0xdd: {  	v1 =	vld [tilespmem:s22+$0x290]  }
0xde: {  	v0 =	vadd.f32 v2, v0  }
0xdf: {  	v2 =	vld [tilespmem:s22+$0x310]  }
0xe0: {  	v0 =	vadd.f32 v3, v0  }
0xe1: {  	v3 =	vld [tilespmem:s22+$0x390]  }
0xe2: {  	v0 =	vadd.f32 v1, v0;
	_ =	sdelay $0x1  }
0xe3: {  	v0 =	vadd.f32 v2, v0;
	_ =	sdelay $0x1  }
0xe4: {  	v0 =	vadd.f32 v3, v0;
	_ =	sdelay $0x1  }
0xe5: {  	[tilespmem:s23+$0x16410] =	vst v0  }
0xe6: {  	v0 =	vld [tilespmem:s22+$0xFFFFFC20]  }
0xe7: {  	v1 =	vld [tilespmem:s22+$0xFFFFFCA0];
	_ =	sdelay $0x1  }
0xe8: {  	v2 =	vld [tilespmem:s22+$0xFFFFFD20];
	_ =	sdelay $0x1  }
0xe9: {  	v3 =	vld [tilespmem:s22+$0xFFFFFDA0]  }
0xea: {  	v0 =	vadd.f32 v1, v0  }
0xeb: {  	v1 =	vld [tilespmem:s22+$0xFFFFFE20]  }
0xec: {  	v0 =	vadd.f32 v2, v0  }
0xed: {  	v2 =	vld [tilespmem:s22+$0xFFFFFEA0]  }
0xee: {  	v0 =	vadd.f32 v3, v0  }
0xef: {  	v3 =	vld [tilespmem:s22+$0xFFFFFF20]  }
0xf0: {  	v0 =	vadd.f32 v1, v0  }
0xf1: {  	v1 =	vld [tilespmem:s22+$0xFFFFFFA0]  }
0xf2: {  	v0 =	vadd.f32 v2, v0  }
0xf3: {  	v2 =	vld [tilespmem:s22+$0x20]  }
0xf4: {  	v0 =	vadd.f32 v3, v0  }
0xf5: {  	v3 =	vld [tilespmem:s22+$0xA0]  }
0xf6: {  	v0 =	vadd.f32 v1, v0  }
0xf7: {  	v1 =	vld [tilespmem:s22+$0x120]  }
0xf8: {  	v0 =	vadd.f32 v2, v0  }
0xf9: {  	v2 =	vld [tilespmem:s22+$0x1A0]  }
0xfa: {  	v0 =	vadd.f32 v3, v0  }
0xfb: {  	v3 =	vld [tilespmem:s22+$0x220]  }
0xfc: {  	v0 =	vadd.f32 v1, v0  }
0xfd: {  	v1 =	vld [tilespmem:s22+$0x2A0]  }
0xfe: {  	v0 =	vadd.f32 v2, v0  }
0xff: {  	v2 =	vld [tilespmem:s22+$0x320]  }
0x100: {  	v0 =	vadd.f32 v3, v0  }
0x101: {  	v3 =	vld [tilespmem:s22+$0x3A0]  }
0x102: {  	v0 =	vadd.f32 v1, v0;
	_ =	sdelay $0x1  }
0x103: {  	v0 =	vadd.f32 v2, v0;
	_ =	sdelay $0x1  }
0x104: {  	v0 =	vadd.f32 v3, v0;
	_ =	sdelay $0x1  }
0x105: {  	[tilespmem:s23+$0x16420] =	vst v0  }
0x106: {  	v0 =	vld [tilespmem:s22+$0xFFFFFC30]  }
0x107: {  	v1 =	vld [tilespmem:s22+$0xFFFFFCB0]  }
0x108: {  	v2 =	vld [tilespmem:s22+$0xFFFFFD30]  }
0x109: {  	v3 =	vld [tilespmem:s22+$0xFFFFFDB0]  }
0x10a: {  	v4 =	vld [tilespmem:s22+$0xFFFFFE30]  }
0x10b: {  	v5 =	vld [tilespmem:s22+$0xFFFFFEB0]  }
0x10c: {  	v0 =	vadd.f32 v1, v0;
	v6 =	vld [tilespmem:s22+$0xFFFFFF30]  }
0x10d: {  	v7 =	vld [tilespmem:s22+$0xFFFFFFB0]  }
0x10e: {  	v0 =	vadd.f32 v2, v0;
	v2 =	vld [tilespmem:s22+$0x30]  }
0x10f: {  	v8 =	vld [tilespmem:s22+$0xB0]  }
0x110: {  	v0 =	vadd.f32 v3, v0;
	v3 =	vld [tilespmem:s22+$0x130]  }
0x111: {  	v9 =	vld [tilespmem:s22+$0x1B0]  }
0x112: {  	v0 =	vadd.f32 v4, v0;
	v4 =	vld [tilespmem:s22+$0x230]  }
0x113: {  	v10 =	vld [tilespmem:s22+$0x2B0]  }
0x114: {  	v5 =	vadd.f32 v5, v0;
	v1 =	vld [tilespmem:s22+$0x330]  }
0x115: {  	v0 =	vld [tilespmem:s22+$0x3B0]  }
0x116: {  	v5 =	vadd.f32 v6, v5;
	_ =	sdelay $0x1  }
0x117: {  	v5 =	vadd.f32 v7, v5;
	_ =	sdelay $0x1  }
0x118: {  	v2 =	vadd.f32 v2, v5;
	_ =	sdelay $0x1  }
0x119: {  	v2 =	vadd.f32 v8, v2;
	_ =	sdelay $0x1  }
0x11a: {  	v2 =	vadd.f32 v3, v2;
	_ =	sdelay $0x1  }
.Ltmp2:
0x11b: {  	v2 =	vadd.f32 v9, v2;
	(pc) =	sbr.rel @p0 .LBB2_3-.Ltmp2, $3  }
0x11c: {  	_ = 	snop  }
0x11d: {  	v2 =	vadd.f32 v4, v2;
	_ =	sdelay $0x1  }
0x11e: {  	v2 =	vadd.f32 v10, v2  }
0x11f: {  	_ = 	snop  }
0x120: {  	v1 =	vadd.f32 v1, v2  }
0x121: {  	s22 =	sshll.u32 s21, $0x1  }
0x122: {  	s24 =	sadd.s32 s3, s22;
	v0 =	vadd.f32 v0, v1  }
0x123: {  	s24 =	sshll.u32 s24, $0x8  }
0x124: {  	p0 =	seq.s32 s21, $0x31;
	s30 =	sadd.s32 s5, s24;
	[tilespmem:s23+$0x16430] =	vst v0  }
0x125: {  	[hbm4b:s30+s2] =	stream.linear.scatter [tilespmem:s18], [sflag:$0x3], $0x800, $0x38;
	[tilespmem:$0x16C00] =	vst v63  }
0x126: {  	s23 =	sshll.u32 @!p0 s21, $0x9;
	_ =	swait.ge [sflag:s9], $0x800  }
0x127: {  	s25 =	simm.s32 @!p0 $0x80;
	s23 =	sand.u32 @!p0 $0x3FFFFE00, s23;
	[sflag:s9] =	ssyncset.done $0x0  }
0x128: {  	s26 =	simm.s32 @!p0 $0x6400;
	s24 =	sadd.s32 @!p0 $0x200, s23;
	[sflag:s9] =	ssyncadd.s32 $0xFFFFF800  }
0x129: {  	[tilespmem:s26], [sflag:$0x1] =	stream.indirect.gather @!p0 [hbm4b:s4+s25], $0x80, s24, s25, $0xb8;
	[tilespmem:$0x16C00] =	vst v63  }
0x12a: {  	s23 =	sadd.s32 @!p0 $0x280, s23;
	s24 =	simm.s32 @!p0 $0xA400  }
0x12b: {  	[tilespmem:s24], [sflag:$0x1] =	stream.indirect.gather @!p0 [hbm4b:s4+s25], $0x80, s23, s25, $0xb8;
	[tilespmem:$0x16C00] =	vst v63  }
0x12c: {  	_ =	swait.ge [sflag:s19], $0x4000  }
0x12d: {  	[sflag:s19] =	ssyncset.done $0x0  }
0x12e: {  	[sflag:s19] =	ssyncadd.s32 $0xFFFFC000  }
0x12f: {  	_ =	swait.ge [sflag:s19], $0x4000  }
0x130: {  	[sflag:s19] =	ssyncset.done $0x0  }
0x131: {  	s31 =	simm.s32 $0x0;
	[sflag:s19] =	ssyncadd.s32 $0xFFFFC000  }
0x132: {  	v0 =	vld [tilespmem:s31+$0xE400]  }
0x133: {  	v1 =	vld [tilespmem:s31+$0xE480];
	_ =	sdelay $0x1  }
0x134: {  	v2 =	vld [tilespmem:s31+$0xE500];
	_ =	sdelay $0x1  }
0x135: {  	v3 =	vld [tilespmem:s31+$0xE580]  }
0x136: {  	v0 =	vadd.f32 v1, v0  }
0x137: {  	v1 =	vld [tilespmem:s31+$0xE600]  }
0x138: {  	v0 =	vadd.f32 v2, v0  }
0x139: {  	v2 =	vld [tilespmem:s31+$0xE680]  }
0x13a: {  	v0 =	vadd.f32 v3, v0  }
0x13b: {  	v3 =	vld [tilespmem:s31+$0xE700]  }
0x13c: {  	v0 =	vadd.f32 v1, v0  }
0x13d: {  	v1 =	vld [tilespmem:s31+$0xE780]  }
0x13e: {  	v0 =	vadd.f32 v2, v0  }
0x13f: {  	v2 =	vld [tilespmem:s31+$0xE800]  }
0x140: {  	v0 =	vadd.f32 v3, v0  }
0x141: {  	v3 =	vld [tilespmem:s31+$0xE880]  }
0x142: {  	v0 =	vadd.f32 v1, v0  }
0x143: {  	v1 =	vld [tilespmem:s31+$0xE900]  }
0x144: {  	v0 =	vadd.f32 v2, v0  }
0x145: {  	v2 =	vld [tilespmem:s31+$0xE980]  }
0x146: {  	v0 =	vadd.f32 v3, v0  }
0x147: {  	v3 =	vld [tilespmem:s31+$0xEA00]  }
0x148: {  	v0 =	vadd.f32 v1, v0  }
0x149: {  	v1 =	vld [tilespmem:s31+$0xEA80]  }
0x14a: {  	v0 =	vadd.f32 v2, v0  }
0x14b: {  	v2 =	vld [tilespmem:s31+$0xEB00]  }
0x14c: {  	v0 =	vadd.f32 v3, v0  }
0x14d: {  	v3 =	vld [tilespmem:s31+$0xEB80]  }
0x14e: {  	v0 =	vadd.f32 v1, v0;
	_ =	sdelay $0x1  }
0x14f: {  	v0 =	vadd.f32 v2, v0;
	_ =	sdelay $0x1  }
0x150: {  	v0 =	vadd.f32 v3, v0  }
0x151: {  	s23 =	simm.s32 $0x16420  }
0x152: {  	[tilespmem:s23+$0xFFFFFFE0] =	vst v0  }
0x153: {  	v0 =	vld [tilespmem:s31+$0xE410]  }
0x154: {  	v1 =	vld [tilespmem:s31+$0xE490];
	_ =	sdelay $0x1  }
0x155: {  	v2 =	vld [tilespmem:s31+$0xE510];
	_ =	sdelay $0x1  }
0x156: {  	v3 =	vld [tilespmem:s31+$0xE590]  }
0x157: {  	v0 =	vadd.f32 v1, v0  }
0x158: {  	v1 =	vld [tilespmem:s31+$0xE610]  }
0x159: {  	v0 =	vadd.f32 v2, v0  }
0x15a: {  	v2 =	vld [tilespmem:s31+$0xE690]  }
0x15b: {  	v0 =	vadd.f32 v3, v0  }
0x15c: {  	v3 =	vld [tilespmem:s31+$0xE710]  }
0x15d: {  	v0 =	vadd.f32 v1, v0  }
0x15e: {  	v1 =	vld [tilespmem:s31+$0xE790]  }
0x15f: {  	v0 =	vadd.f32 v2, v0  }
0x160: {  	v2 =	vld [tilespmem:s31+$0xE810]  }
0x161: {  	v0 =	vadd.f32 v3, v0  }
0x162: {  	v3 =	vld [tilespmem:s31+$0xE890]  }
0x163: {  	v0 =	vadd.f32 v1, v0  }
0x164: {  	v1 =	vld [tilespmem:s31+$0xE910]  }
0x165: {  	v0 =	vadd.f32 v2, v0  }
0x166: {  	v2 =	vld [tilespmem:s31+$0xE990]  }
0x167: {  	v0 =	vadd.f32 v3, v0  }
0x168: {  	v3 =	vld [tilespmem:s31+$0xEA10]  }
0x169: {  	v0 =	vadd.f32 v1, v0  }
0x16a: {  	v1 =	vld [tilespmem:s31+$0xEA90]  }
0x16b: {  	v0 =	vadd.f32 v2, v0  }
0x16c: {  	v2 =	vld [tilespmem:s31+$0xEB10]  }
0x16d: {  	v0 =	vadd.f32 v3, v0  }
0x16e: {  	v3 =	vld [tilespmem:s31+$0xEB90]  }
0x16f: {  	v0 =	vadd.f32 v1, v0;
	_ =	sdelay $0x1  }
0x170: {  	v0 =	vadd.f32 v2, v0;
	_ =	sdelay $0x1  }
0x171: {  	v0 =	vadd.f32 v3, v0;
	_ =	sdelay $0x1  }
0x172: {  	[tilespmem:s23+$0xFFFFFFF0] =	vst v0  }
0x173: {  	v0 =	vld [tilespmem:s31+$0xE420]  }
0x174: {  	v1 =	vld [tilespmem:s31+$0xE4A0];
	_ =	sdelay $0x1  }
0x175: {  	v2 =	vld [tilespmem:s31+$0xE520];
	_ =	sdelay $0x1  }
0x176: {  	v3 =	vld [tilespmem:s31+$0xE5A0]  }
0x177: {  	v0 =	vadd.f32 v1, v0  }
0x178: {  	v1 =	vld [tilespmem:s31+$0xE620]  }
0x179: {  	v0 =	vadd.f32 v2, v0  }
0x17a: {  	v2 =	vld [tilespmem:s31+$0xE6A0]  }
0x17b: {  	v0 =	vadd.f32 v3, v0  }
0x17c: {  	v3 =	vld [tilespmem:s31+$0xE720]  }
0x17d: {  	v0 =	vadd.f32 v1, v0  }
0x17e: {  	v1 =	vld [tilespmem:s31+$0xE7A0]  }
0x17f: {  	v0 =	vadd.f32 v2, v0  }
0x180: {  	v2 =	vld [tilespmem:s31+$0xE820]  }
0x181: {  	v0 =	vadd.f32 v3, v0  }
0x182: {  	v3 =	vld [tilespmem:s31+$0xE8A0]  }
0x183: {  	v0 =	vadd.f32 v1, v0  }
0x184: {  	v1 =	vld [tilespmem:s31+$0xE920]  }
0x185: {  	v0 =	vadd.f32 v2, v0  }
0x186: {  	v2 =	vld [tilespmem:s31+$0xE9A0]  }
0x187: {  	v0 =	vadd.f32 v3, v0  }
0x188: {  	v3 =	vld [tilespmem:s31+$0xEA20]  }
0x189: {  	v0 =	vadd.f32 v1, v0  }
0x18a: {  	v1 =	vld [tilespmem:s31+$0xEAA0]  }
0x18b: {  	v0 =	vadd.f32 v2, v0  }
0x18c: {  	v2 =	vld [tilespmem:s31+$0xEB20]  }
0x18d: {  	v0 =	vadd.f32 v3, v0  }
0x18e: {  	v3 =	vld [tilespmem:s31+$0xEBA0]  }
0x18f: {  	v0 =	vadd.f32 v1, v0;
	_ =	sdelay $0x1  }
0x190: {  	v0 =	vadd.f32 v2, v0;
	_ =	sdelay $0x1  }
0x191: {  	v0 =	vadd.f32 v3, v0;
	_ =	sdelay $0x1  }
0x192: {  	[tilespmem:s23+$0x0] =	vst v0  }
0x193: {  	v0 =	vld [tilespmem:s31+$0xE430]  }
0x194: {  	v1 =	vld [tilespmem:s31+$0xE4B0];
	_ =	sdelay $0x1  }
0x195: {  	v2 =	vld [tilespmem:s31+$0xE530];
	_ =	sdelay $0x1  }
0x196: {  	v3 =	vld [tilespmem:s31+$0xE5B0]  }
0x197: {  	v0 =	vadd.f32 v1, v0  }
0x198: {  	v1 =	vld [tilespmem:s31+$0xE630]  }
0x199: {  	v0 =	vadd.f32 v2, v0  }
0x19a: {  	v2 =	vld [tilespmem:s31+$0xE6B0]  }
0x19b: {  	v0 =	vadd.f32 v3, v0  }
0x19c: {  	v3 =	vld [tilespmem:s31+$0xE730]  }
0x19d: {  	v0 =	vadd.f32 v1, v0  }
0x19e: {  	v1 =	vld [tilespmem:s31+$0xE7B0]  }
0x19f: {  	v0 =	vadd.f32 v2, v0  }
0x1a0: {  	v2 =	vld [tilespmem:s31+$0xE830]  }
0x1a1: {  	v0 =	vadd.f32 v3, v0  }
0x1a2: {  	v3 =	vld [tilespmem:s31+$0xE8B0]  }
0x1a3: {  	v0 =	vadd.f32 v1, v0  }
0x1a4: {  	v1 =	vld [tilespmem:s31+$0xE930]  }
0x1a5: {  	v0 =	vadd.f32 v2, v0  }
0x1a6: {  	v2 =	vld [tilespmem:s31+$0xE9B0]  }
0x1a7: {  	v0 =	vadd.f32 v3, v0  }
0x1a8: {  	v3 =	vld [tilespmem:s31+$0xEA30]  }
0x1a9: {  	v0 =	vadd.f32 v1, v0  }
0x1aa: {  	v4 =	vld [tilespmem:s31+$0xEAB0]  }
0x1ab: {  	v0 =	vadd.f32 v2, v0;
	_ =	sdelay $0x1  }
0x1ac: {  	v1 =	vld [tilespmem:s31+$0xEB30];
	v2 =	vadd.f32 v3, v0;
	_ =	sdelay $0x1  }
0x1ad: {  	s25 =	simm.s32 $0x2000;
	s24 =	simm.s32 $0x16420;
	v0 =	vld [tilespmem:s31+$0xEBB0];
	v2 =	vadd.f32 v4, v2  }
.LBB2_5:
0x1ae: {  	p1 =	sne.s32 s25, $0x1E000  }
0x1af: {  	s23 =	sadd.s32 $0x80, s23;
	s26 =	smov.u32 s25;
	s25 =	sadd.s32 $0x2000, s25  }
0x1b0: {  	v1 =	vadd.f32 v1, v2;
	_ =	sdelay $0x1  }
0x1b1: {  	v0 =	vadd.f32 v0, v1  }
0x1b2: {  	s26 =	sshra.s32 s26, $0x2  }
0x1b3: {  	[tilespmem:s24+$0x10] =	vst v0;
	s24 =	smov.u32 s23  }
0x1b4: {  	v0 =	vld [tilespmem:s26+$0xE400]  }
0x1b5: {  	v1 =	vld [tilespmem:s26+$0xE480];
	_ =	sdelay $0x1  }
0x1b6: {  	v2 =	vld [tilespmem:s26+$0xE500];
	_ =	sdelay $0x1  }
0x1b7: {  	v3 =	vld [tilespmem:s26+$0xE580]  }
0x1b8: {  	v0 =	vadd.f32 v1, v0  }
0x1b9: {  	v1 =	vld [tilespmem:s26+$0xE600]  }
0x1ba: {  	v0 =	vadd.f32 v2, v0  }
0x1bb: {  	v2 =	vld [tilespmem:s26+$0xE680]  }
0x1bc: {  	v0 =	vadd.f32 v3, v0  }
0x1bd: {  	v3 =	vld [tilespmem:s26+$0xE700]  }
0x1be: {  	v0 =	vadd.f32 v1, v0  }
0x1bf: {  	v1 =	vld [tilespmem:s26+$0xE780]  }
0x1c0: {  	v0 =	vadd.f32 v2, v0  }
0x1c1: {  	v2 =	vld [tilespmem:s26+$0xE800]  }
0x1c2: {  	v0 =	vadd.f32 v3, v0  }
0x1c3: {  	v3 =	vld [tilespmem:s26+$0xE880]  }
0x1c4: {  	v0 =	vadd.f32 v1, v0  }
0x1c5: {  	v1 =	vld [tilespmem:s26+$0xE900]  }
0x1c6: {  	v0 =	vadd.f32 v2, v0  }
0x1c7: {  	v2 =	vld [tilespmem:s26+$0xE980]  }
0x1c8: {  	v0 =	vadd.f32 v3, v0  }
0x1c9: {  	v3 =	vld [tilespmem:s26+$0xEA00]  }
0x1ca: {  	v0 =	vadd.f32 v1, v0  }
0x1cb: {  	v1 =	vld [tilespmem:s26+$0xEA80]  }
0x1cc: {  	v0 =	vadd.f32 v2, v0  }
0x1cd: {  	v2 =	vld [tilespmem:s26+$0xEB00]  }
0x1ce: {  	v0 =	vadd.f32 v3, v0  }
0x1cf: {  	v3 =	vld [tilespmem:s26+$0xEB80]  }
0x1d0: {  	v0 =	vadd.f32 v1, v0;
	_ =	sdelay $0x1  }
0x1d1: {  	v0 =	vadd.f32 v2, v0;
	_ =	sdelay $0x1  }
0x1d2: {  	v0 =	vadd.f32 v3, v0;
	_ =	sdelay $0x1  }
0x1d3: {  	[tilespmem:s23+$0xFFFFFFE0] =	vst v0  }
0x1d4: {  	v0 =	vld [tilespmem:s26+$0xE410]  }
0x1d5: {  	v1 =	vld [tilespmem:s26+$0xE490];
	_ =	sdelay $0x1  }
0x1d6: {  	v2 =	vld [tilespmem:s26+$0xE510];
	_ =	sdelay $0x1  }
0x1d7: {  	v3 =	vld [tilespmem:s26+$0xE590]  }
0x1d8: {  	v0 =	vadd.f32 v1, v0  }
0x1d9: {  	v1 =	vld [tilespmem:s26+$0xE610]  }
0x1da: {  	v0 =	vadd.f32 v2, v0  }
0x1db: {  	v2 =	vld [tilespmem:s26+$0xE690]  }
0x1dc: {  	v0 =	vadd.f32 v3, v0  }
0x1dd: {  	v3 =	vld [tilespmem:s26+$0xE710]  }
0x1de: {  	v0 =	vadd.f32 v1, v0  }
0x1df: {  	v1 =	vld [tilespmem:s26+$0xE790]  }
0x1e0: {  	v0 =	vadd.f32 v2, v0  }
0x1e1: {  	v2 =	vld [tilespmem:s26+$0xE810]  }
0x1e2: {  	v0 =	vadd.f32 v3, v0  }
0x1e3: {  	v3 =	vld [tilespmem:s26+$0xE890]  }
0x1e4: {  	v0 =	vadd.f32 v1, v0  }
0x1e5: {  	v1 =	vld [tilespmem:s26+$0xE910]  }
0x1e6: {  	v0 =	vadd.f32 v2, v0  }
0x1e7: {  	v2 =	vld [tilespmem:s26+$0xE990]  }
0x1e8: {  	v0 =	vadd.f32 v3, v0  }
0x1e9: {  	v3 =	vld [tilespmem:s26+$0xEA10]  }
0x1ea: {  	v0 =	vadd.f32 v1, v0  }
0x1eb: {  	v1 =	vld [tilespmem:s26+$0xEA90]  }
0x1ec: {  	v0 =	vadd.f32 v2, v0  }
0x1ed: {  	v2 =	vld [tilespmem:s26+$0xEB10]  }
0x1ee: {  	v0 =	vadd.f32 v3, v0  }
0x1ef: {  	v3 =	vld [tilespmem:s26+$0xEB90]  }
0x1f0: {  	v0 =	vadd.f32 v1, v0;
	_ =	sdelay $0x1  }
0x1f1: {  	v0 =	vadd.f32 v2, v0;
	_ =	sdelay $0x1  }
0x1f2: {  	v0 =	vadd.f32 v3, v0;
	_ =	sdelay $0x1  }
0x1f3: {  	[tilespmem:s23+$0xFFFFFFF0] =	vst v0  }
0x1f4: {  	v0 =	vld [tilespmem:s26+$0xE420]  }
0x1f5: {  	v1 =	vld [tilespmem:s26+$0xE4A0];
	_ =	sdelay $0x1  }
0x1f6: {  	v2 =	vld [tilespmem:s26+$0xE520];
	_ =	sdelay $0x1  }
0x1f7: {  	v3 =	vld [tilespmem:s26+$0xE5A0]  }
0x1f8: {  	v0 =	vadd.f32 v1, v0  }
0x1f9: {  	v1 =	vld [tilespmem:s26+$0xE620]  }
0x1fa: {  	v0 =	vadd.f32 v2, v0  }
0x1fb: {  	v2 =	vld [tilespmem:s26+$0xE6A0]  }
0x1fc: {  	v0 =	vadd.f32 v3, v0  }
0x1fd: {  	v3 =	vld [tilespmem:s26+$0xE720]  }
0x1fe: {  	v0 =	vadd.f32 v1, v0  }
0x1ff: {  	v1 =	vld [tilespmem:s26+$0xE7A0]  }
0x200: {  	v0 =	vadd.f32 v2, v0  }
0x201: {  	v2 =	vld [tilespmem:s26+$0xE820]  }
0x202: {  	v0 =	vadd.f32 v3, v0  }
0x203: {  	v3 =	vld [tilespmem:s26+$0xE8A0]  }
0x204: {  	v0 =	vadd.f32 v1, v0  }
0x205: {  	v1 =	vld [tilespmem:s26+$0xE920]  }
0x206: {  	v0 =	vadd.f32 v2, v0  }
0x207: {  	v2 =	vld [tilespmem:s26+$0xE9A0]  }
0x208: {  	v0 =	vadd.f32 v3, v0  }
0x209: {  	v3 =	vld [tilespmem:s26+$0xEA20]  }
0x20a: {  	v0 =	vadd.f32 v1, v0  }
0x20b: {  	v1 =	vld [tilespmem:s26+$0xEAA0]  }
0x20c: {  	v0 =	vadd.f32 v2, v0  }
0x20d: {  	v2 =	vld [tilespmem:s26+$0xEB20]  }
0x20e: {  	v0 =	vadd.f32 v3, v0  }
0x20f: {  	v3 =	vld [tilespmem:s26+$0xEBA0]  }
0x210: {  	v0 =	vadd.f32 v1, v0;
	_ =	sdelay $0x1  }
0x211: {  	v0 =	vadd.f32 v2, v0;
	_ =	sdelay $0x1  }
0x212: {  	v0 =	vadd.f32 v3, v0;
	_ =	sdelay $0x1  }
0x213: {  	[tilespmem:s23+$0x0] =	vst v0  }
0x214: {  	v0 =	vld [tilespmem:s26+$0xE430]  }
0x215: {  	v1 =	vld [tilespmem:s26+$0xE4B0]  }
0x216: {  	v2 =	vld [tilespmem:s26+$0xE530]  }
0x217: {  	v3 =	vld [tilespmem:s26+$0xE5B0]  }
0x218: {  	v4 =	vld [tilespmem:s26+$0xE630]  }
0x219: {  	v5 =	vld [tilespmem:s26+$0xE6B0]  }
0x21a: {  	v0 =	vadd.f32 v1, v0;
	v6 =	vld [tilespmem:s26+$0xE730]  }
0x21b: {  	v7 =	vld [tilespmem:s26+$0xE7B0]  }
0x21c: {  	v0 =	vadd.f32 v2, v0;
	v2 =	vld [tilespmem:s26+$0xE830]  }
0x21d: {  	v8 =	vld [tilespmem:s26+$0xE8B0]  }
0x21e: {  	v0 =	vadd.f32 v3, v0;
	v3 =	vld [tilespmem:s26+$0xE930]  }
0x21f: {  	v9 =	vld [tilespmem:s26+$0xE9B0]  }
0x220: {  	v0 =	vadd.f32 v4, v0;
	v4 =	vld [tilespmem:s26+$0xEA30]  }
0x221: {  	v10 =	vld [tilespmem:s26+$0xEAB0]  }
0x222: {  	v5 =	vadd.f32 v5, v0;
	v1 =	vld [tilespmem:s26+$0xEB30]  }
0x223: {  	v0 =	vld [tilespmem:s26+$0xEBB0]  }
0x224: {  	v5 =	vadd.f32 v6, v5;
	_ =	sdelay $0x1  }
0x225: {  	v5 =	vadd.f32 v7, v5;
	_ =	sdelay $0x1  }
0x226: {  	v2 =	vadd.f32 v2, v5;
	_ =	sdelay $0x1  }
0x227: {  	v2 =	vadd.f32 v8, v2;
	_ =	sdelay $0x1  }
0x228: {  	v2 =	vadd.f32 v3, v2;
	_ =	sdelay $0x1  }
.Ltmp3:
0x229: {  	v2 =	vadd.f32 v9, v2;
	(pc) =	sbr.rel @p1 .LBB2_5-.Ltmp3, $3  }
0x22a: {  	_ = 	snop  }
0x22b: {  	v2 =	vadd.f32 v4, v2;
	_ =	sdelay $0x1  }
0x22c: {  	v2 =	vadd.f32 v10, v2  }
0x22d: {  	_ = 	snop  }
0x22e: {  	v1 =	vadd.f32 v1, v2  }
0x22f: {  	s22 =	sadd.s32 s22, s7  }
0x230: {  	s22 =	sshll.u32 s22, $0x8;
	v0 =	vadd.f32 v0, v1  }
0x231: {  	s22 =	sand.u32 $0x1FFFFF00, s22  }
.Ltmp4:
0x232: {  	s22 =	sadd.s32 s5, s22;
	[tilespmem:s24+$0x10] =	vst v0;
	(pc) =	sbr.rel @p0 .LBB2_8-.Ltmp4, $4  }
0x233: {  	[hbm4b:s22+s2] =	stream.linear.scatter [tilespmem:s18], [sflag:$0x3], $0x800, $0x38;
	[tilespmem:$0x16C00] =	vst v63  }
0x234: {  	_ =	swait.ge [sflag:s9], $0x800  }
0x235: {  	[sflag:s9] =	ssyncset.done $0x0  }
0x236: {  	[sflag:s9] =	ssyncadd.s32 $0xFFFFF800  }
0x237: {  	s22 =	sshll.u32 s21, $0x9  }
.Ltmp5:
0x238: {  	s22 =	sand.u32 $0x3FFFFE00, s22;
	(pc) =	sbr.rel .LBB2_2-.Ltmp5, $4  }
0x239: {  	s23 =	sadd.s32 $0x300, s22  }
0x23a: {  	[tilespmem:s14], [sflag:$0x2] =	stream.indirect.gather [hbm4b:s4+s10], $0x80, s23, s10, $0xb8;
	[tilespmem:$0x16C00] =	vst v63  }
0x23b: {  	s21 =	sadd.s32 $0x1, s21;
	s22 =	sadd.s32 $0x380, s22  }
0x23c: {  	[tilespmem:s16], [sflag:$0x2] =	stream.indirect.gather [hbm4b:s4+s10], $0x80, s22, s10, $0xb8;
	[tilespmem:$0x16C00] =	vst v63  }
.LBB2_9:
0x23d: {  	_ =	sfence.sel $0x180000  }
0x23e: {  	[bflag:$0x0] =	sbarrier.arrive $0xFFFF  }
0x23f: {  	p0 =	sne.s32 s0, $0x0;
	_ =	strace $0x90000047  }
0x240: {  	s0 =	sadd.s32 @!p0 $0x100000, s1;
	[bflag:$0x2] =	sbarrier.arrive $0xFFFF  }
0x241: {  	[sflag:s0] =	ssyncadd.tile.s32 @!p0 $0x1;
	_ =	shalt  }
.Lfunc_end2:
_tile_overlayer_lowered:
.L_overlay_start_2:
0x242: {  	(tag) =	ssettag $0x2  }
0x243: {  	s0 =	rddreg [dreg:$0x0];
	s2 =	stileid.u32  }
0x244: {  	s1 =	rddreg [dreg:$0x1];
	p0 =	sne.s32 s2, $0x0  }
0x245: {  	s3 =	rddreg [dreg:$0x2];
	[bflag:$0x3] =	sbarrier.arrive $0xFFFF;
	s2 =	simm.s32 @!p0 $0x1C03  }
0x246: {  	[timem:s3], [sflag:s2] =	dma.local @!p0 [hbm:s0], s1  }
0x247: {  	s0 =	simm.s32 @!p0 $0x3  }
0x248: {  	_ =	swait.ge @!p0 [sflag:s0], s1  }
0x249: {  	s1 =	ssub.s32 @!p0 $0x0, s1;
	[sflag:s0] =	ssyncset.done @!p0 $0x0  }
0x24a: {  	[sflag:s0] =	ssyncadd.s32 @!p0 s1  }
0x24b: {  	[bflag:$0x3] =	sbarrier.arrive $0xFFFF  }
0x24c: {  	_ =	shalt  }

</sc_bundles>
